<compile_context>
chip_gen: v7x
topology: tpu7x:2x2x1
jax: 0.10.2.dev20260603
libtpu: 0.0.44.dev20260713+nightly
codegen_flags: <defaults>
</compile_context>

<pallas_src>
import functools
import math

import jax
import jax.numpy as jnp
from jax import lax
from jax.experimental import pallas as pl
from jax.experimental.pallas import tpu as pltpu
from jax.experimental.pallas import tpu_sc as plsc

_K = 4
_SECOND_K = 4
_NIDX = _K + _SECOND_K
_BATCH = 16384
_TBL = 1000000
_LEVEL_SQ_SUM = math.exp(math.log(1e24) / _NIDX)
_SCALE_NUM = _LEVEL_SQ_SUM ** (_NIDX / 2.0)

_NC, _NS, _L = 2, 16, 16
_NW = _NC * _NS
_RPW = _BATCH // _NW

_CHUNK = 124928
_NCHUNK = 8
_MAIN = _CHUNK * _NCHUNK
_TAIL = _TBL - _MAIN


def _gather_prod_sc(idx, first_mat, second_mat):
    mesh = plsc.VectorSubcoreMesh(core_axis_name="c", subcore_axis_name="s")

    @functools.partial(
        pl.kernel,
        out_type=(jax.ShapeDtypeStruct((_BATCH,), jnp.float32),
                  jax.ShapeDtypeStruct((2 * _L,), jnp.float32)),
        mesh=mesh,
        scratch_types=[
            [pltpu.VMEM((_RPW,), jnp.int32) for _ in range(_NIDX)],
            [pltpu.VMEM((_RPW,), jnp.float32) for _ in range(_NIDX)],
            pltpu.VMEM((_RPW,), jnp.float32),
            pltpu.VMEM((_TAIL,), jnp.float32),
            pltpu.VMEM((_L,), jnp.float32),
            pltpu.SemaphoreType.DMA,
            pltpu.SemaphoreType.DMA,
        ],
    )
    def k(idx_hbm, fm_hbm, sm_hbm, out_hbm, tails_hbm,
          idxvs, valsvs, prodv, tailv, tpart, sem, isem):
        wid = lax.axis_index("s") * _NC + lax.axis_index("c")
        base = wid * _RPW
        icopies = [
            pltpu.async_copy(idx_hbm.at[j, pl.ds(base, _RPW)], idxvs[j], isem)
            for j in range(_NIDX)
        ]
        copies = []
        for j in range(_NIDX):
            icopies[j].wait()
            tbl = fm_hbm if j < _K else sm_hbm
            copies.append(pltpu.async_copy(tbl.at[idxvs[j]], valsvs[j], sem))

        for w, tbl in ((0, fm_hbm), (1, sm_hbm)):
            @pl.when(wid == w)
            def _():
                pltpu.sync_copy(tbl.at[pl.ds(_MAIN, _TAIL)], tailv)

                def tail_body(t, acc):
                    v = tailv[pl.ds(t * _L, _L)]
                    return acc + v * v

                tpart[...] = lax.fori_loop(
                    0, _TAIL // _L, tail_body, jnp.zeros((_L,), jnp.float32))
                pltpu.sync_copy(tpart, tails_hbm.at[pl.ds(w * _L, _L)])

        for cp in copies:
            cp.wait()

        def prod_body(i, carry):
            sl = pl.ds(i * _L, _L)
            p = valsvs[0][sl]
            for j in range(1, _NIDX):
                p = p * valsvs[j][sl]
            prodv[sl] = p
            return carry

        lax.fori_loop(0, _RPW // _L, prod_body, 0)
        pltpu.sync_copy(prodv, out_hbm.at[pl.ds(base, _RPW)])

    return k(idx, first_mat, second_mat)


def _sumsq_tc(fm, sm):
    def body(fm_hbm, sm_hbm, out_ref, fmv, smv, sem1, sem2):
        c1 = [pltpu.make_async_copy(fm_hbm.at[pl.ds(r * _CHUNK, _CHUNK)],
                                    fmv.at[r], sem1) for r in range(_NCHUNK)]
        c2 = [pltpu.make_async_copy(sm_hbm.at[pl.ds(r * _CHUNK, _CHUNK)],
                                    smv.at[r], sem2) for r in range(_NCHUNK)]
        for c in c1 + c2:
            c.start()
        for c in c1:
            c.wait()
        x = fmv[...]
        s1 = jnp.sum(x * x)
        for c in c2:
            c.wait()
        y = smv[...]
        s2 = jnp.sum(y * y)
        out_ref[...] = jnp.concatenate(
            [jnp.broadcast_to(s1, (1, 1)), jnp.broadcast_to(s2, (1, 1))], axis=1)

    return pl.pallas_call(
        body,
        in_specs=[pl.BlockSpec(memory_space=pltpu.MemorySpace.HBM),
                  pl.BlockSpec(memory_space=pltpu.MemorySpace.HBM)],
        out_specs=pl.BlockSpec(memory_space=pltpu.VMEM),
        out_shape=jax.ShapeDtypeStruct((1, 2), jnp.float32),
        scratch_shapes=[pltpu.VMEM((_NCHUNK, _CHUNK), jnp.float32),
                        pltpu.VMEM((_NCHUNK, _CHUNK), jnp.float32),
                        pltpu.SemaphoreType.DMA,
                        pltpu.SemaphoreType.DMA],
    )(fm, sm)


def _combine_tc(g, smain, tails):
    def body(g_ref, s_ref, t_ref, out_ref):
        s1 = s_ref[0, 0] + jnp.sum(t_ref[pl.ds(0, _L)])
        s2 = s_ref[0, 1] + jnp.sum(t_ref[pl.ds(_L, _L)])
        scale = _SCALE_NUM / ((s1 * s1) * (s2 * s2))
        out_ref[...] = g_ref[...] * scale

    return pl.pallas_call(
        body,
        out_shape=jax.ShapeDtypeStruct(g.shape, jnp.float32),
        input_output_aliases={0: 0},
    )(g, smain, tails)


def kernel(_input, first_mat, second_mat):
    idx = _input.astype(jnp.int32).T
    g, tails = _gather_prod_sc(idx, first_mat, second_mat)
    smain = _sumsq_tc(first_mat, second_mat)
    return _combine_tc(g, smain, tails)

# --- scband reference (transcript-rebuilt; emitter-appended) ---
"""Pipeline reference for scband-two-mat-19481971655228 (READ-ONLY COPY).

The authoritative reference and input builder live on the scoring server;
editing this copy changes nothing except your own understanding.
"""

import jax, jax.numpy as jnp
import numpy as np
import math

INIT_ROW = 1
INIT_COL = 1000000
K = 4
SECOND_K = 4
G_SQ_SUM = 1e24
SEC_HUDDLE = INIT_ROW * INIT_COL
LEVEL_SQ_SUM = math.exp(math.log(G_SQ_SUM) / (K + SECOND_K))
BATCH = 16384


def setup_inputs(seed: int = 0) -> dict:
    key = jax.random.key(seed)
    k1, k2, k3 = jax.random.split(key, 3)
    _input = jax.random.randint(k1, (BATCH, K + SECOND_K), 0, 1000000)
    first_mat = jax.random.uniform(k2, (INIT_ROW * INIT_COL,), dtype=jnp.float32)
    second_mat = jax.random.uniform(k3, (INIT_COL,), dtype=jnp.float32)
    return {"_input": _input, "first_mat": first_mat, "second_mat": second_mat}


def reference(_input, first_mat, second_mat):
    # _output = prod(first_mat[_input[:, :k]], dim=1)
    out = jnp.prod(first_mat[_input[:, :K]], axis=1)
    out = out / jnp.sum(jnp.square(first_mat)) ** (K / 2.0)
    # second matrix: indices shifted by sec_huddle; torch allows negative
    # indexing, which wraps modulo len(second_mat). Replicate that wrap here.
    idx2 = _input[:, K:] - SEC_HUDDLE
    idx2 = jnp.where(idx2 < 0, idx2 + second_mat.shape[0], idx2)
    out = out * jnp.prod(second_mat[idx2], axis=1)
    out = out / jnp.sum(jnp.square(second_mat)) ** (SECOND_K / 2.0)
    return out * LEVEL_SQ_SUM ** ((K + SECOND_K) / 2.0)

if __name__ == "__main__":
    import jax
    _d = setup_inputs()
    print(jax.jit(kernel)(*tuple(_d.values())))

</pallas_src>

<mosaic_0001>
#map = affine_map<(d0, d1) -> (0, 0)>
#map1 = affine_map<(d0, d1) -> (0)>
module attributes {stable_mosaic.version = 14 : i64} {
  func.func @k(%arg0: i32, %arg1: i32, %arg2: memref<8x16384xi32, #tpu.memory_space<hbm>>, %arg3: memref<1000000xf32, #tpu.memory_space<hbm>>, %arg4: memref<1000000xf32, #tpu.memory_space<hbm>>, %arg5: memref<16384xf32, #tpu.memory_space<hbm>>, %arg6: memref<32xf32, #tpu.memory_space<hbm>>, %arg7: memref<512xi32, #tpu.memory_space<vmem>>, %arg8: memref<512xi32, #tpu.memory_space<vmem>>, %arg9: memref<512xi32, #tpu.memory_space<vmem>>, %arg10: memref<512xi32, #tpu.memory_space<vmem>>, %arg11: memref<512xi32, #tpu.memory_space<vmem>>, %arg12: memref<512xi32, #tpu.memory_space<vmem>>, %arg13: memref<512xi32, #tpu.memory_space<vmem>>, %arg14: memref<512xi32, #tpu.memory_space<vmem>>, %arg15: memref<512xf32, #tpu.memory_space<vmem>>, %arg16: memref<512xf32, #tpu.memory_space<vmem>>, %arg17: memref<512xf32, #tpu.memory_space<vmem>>, %arg18: memref<512xf32, #tpu.memory_space<vmem>>, %arg19: memref<512xf32, #tpu.memory_space<vmem>>, %arg20: memref<512xf32, #tpu.memory_space<vmem>>, %arg21: memref<512xf32, #tpu.memory_space<vmem>>, %arg22: memref<512xf32, #tpu.memory_space<vmem>>, %arg23: memref<512xf32, #tpu.memory_space<vmem>>, %arg24: memref<576xf32, #tpu.memory_space<vmem>>, %arg25: memref<16xf32, #tpu.memory_space<vmem>>, %arg26: memref<!tpu.dma_semaphore, #tpu.memory_space<semaphore_mem>>, %arg27: memref<!tpu.dma_semaphore, #tpu.memory_space<semaphore_mem>>) attributes {dimension_semantics = [#tpu.dimension_semantics<core_parallel>, #tpu.dimension_semantics<subcore_parallel>], iteration_bounds = array<i64: 2, 16>, scalar_prefetch = 0 : i64, scratch_operands = 21 : i64, tpu.core_type = #tpu.core_type<sc_vector_subcore>, window_params = [{transform_indices = #map}, {transform_indices = #map1}, {transform_indices = #map1}, {transform_indices = #map1}, {transform_indices = #map1}]} {
    %mul3A = arith.constant 2 : i32
    %mul3A_0 = arith.muli %arg1, %mul3A : i32
    %add3A = arith.addi %mul3A_0, %arg0 : i32
    %mul3A_1 = arith.constant 512 : i32
    %mul3A_2 = arith.muli %add3A, %mul3A_1 : i32
    %dma_start3A = arith.constant 0 : i32
    %dma_start3A_3 = tpu.memref_slice %arg2[%dma_start3A, %mul3A_2] : memref<8x16384xi32, #tpu.memory_space<hbm>> -> memref<1x512xi32, #tpu.memory_space<hbm>>
    %dma_start3A_4 = tpu.memref_squeeze %dma_start3A_3 : memref<1x512xi32, #tpu.memory_space<hbm>> -> memref<512xi32, #tpu.memory_space<hbm>>
    %dma_start3A_5 = tpu.memref_slice %arg2[%dma_start3A, %mul3A_2] : memref<8x16384xi32, #tpu.memory_space<hbm>> -> memref<1x512xi32, #tpu.memory_space<hbm>>
    %dma_start3A_6 = tpu.memref_squeeze %dma_start3A_5 : memref<1x512xi32, #tpu.memory_space<hbm>> -> memref<512xi32, #tpu.memory_space<hbm>>
    tpu.enqueue_dma source(%dma_start3A_6 : memref<512xi32, #tpu.memory_space<hbm>>) target(%arg7 : memref<512xi32, #tpu.memory_space<vmem>>) target_semaphore(%arg27 : memref<!tpu.dma_semaphore, #tpu.memory_space<semaphore_mem>>)
    %dma_start3A_7 = arith.constant 1 : i32
    %dma_start3A_8 = tpu.memref_slice %arg2[%dma_start3A_7, %mul3A_2] : memref<8x16384xi32, #tpu.memory_space<hbm>> -> memref<1x512xi32, #tpu.memory_space<hbm>>
    %dma_start3A_9 = tpu.memref_squeeze %dma_start3A_8 : memref<1x512xi32, #tpu.memory_space<hbm>> -> memref<512xi32, #tpu.memory_space<hbm>>
    %dma_start3A_10 = tpu.memref_slice %arg2[%dma_start3A_7, %mul3A_2] : memref<8x16384xi32, #tpu.memory_space<hbm>> -> memref<1x512xi32, #tpu.memory_space<hbm>>
    %dma_start3A_11 = tpu.memref_squeeze %dma_start3A_10 : memref<1x512xi32, #tpu.memory_space<hbm>> -> memref<512xi32, #tpu.memory_space<hbm>>
    tpu.enqueue_dma source(%dma_start3A_11 : memref<512xi32, #tpu.memory_space<hbm>>) target(%arg8 : memref<512xi32, #tpu.memory_space<vmem>>) target_semaphore(%arg27 : memref<!tpu.dma_semaphore, #tpu.memory_space<semaphore_mem>>)
    %dma_start3A_12 = arith.constant 2 : i32
    %dma_start3A_13 = tpu.memref_slice %arg2[%dma_start3A_12, %mul3A_2] : memref<8x16384xi32, #tpu.memory_space<hbm>> -> memref<1x512xi32, #tpu.memory_space<hbm>>
    %dma_start3A_14 = tpu.memref_squeeze %dma_start3A_13 : memref<1x512xi32, #tpu.memory_space<hbm>> -> memref<512xi32, #tpu.memory_space<hbm>>
    %dma_start3A_15 = tpu.memref_slice %arg2[%dma_start3A_12, %mul3A_2] : memref<8x16384xi32, #tpu.memory_space<hbm>> -> memref<1x512xi32, #tpu.memory_space<hbm>>
    %dma_start3A_16 = tpu.memref_squeeze %dma_start3A_15 : memref<1x512xi32, #tpu.memory_space<hbm>> -> memref<512xi32, #tpu.memory_space<hbm>>
    tpu.enqueue_dma source(%dma_start3A_16 : memref<512xi32, #tpu.memory_space<hbm>>) target(%arg9 : memref<512xi32, #tpu.memory_space<vmem>>) target_semaphore(%arg27 : memref<!tpu.dma_semaphore, #tpu.memory_space<semaphore_mem>>)
    %dma_start3A_17 = arith.constant 3 : i32
    %dma_start3A_18 = tpu.memref_slice %arg2[%dma_start3A_17, %mul3A_2] : memref<8x16384xi32, #tpu.memory_space<hbm>> -> memref<1x512xi32, #tpu.memory_space<hbm>>
    %dma_start3A_19 = tpu.memref_squeeze %dma_start3A_18 : memref<1x512xi32, #tpu.memory_space<hbm>> -> memref<512xi32, #tpu.memory_space<hbm>>
    %dma_start3A_20 = tpu.memref_slice %arg2[%dma_start3A_17, %mul3A_2] : memref<8x16384xi32, #tpu.memory_space<hbm>> -> memref<1x512xi32, #tpu.memory_space<hbm>>
    %dma_start3A_21 = tpu.memref_squeeze %dma_start3A_20 : memref<1x512xi32, #tpu.memory_space<hbm>> -> memref<512xi32, #tpu.memory_space<hbm>>
    tpu.enqueue_dma source(%dma_start3A_21 : memref<512xi32, #tpu.memory_space<hbm>>) target(%arg10 : memref<512xi32, #tpu.memory_space<vmem>>) target_semaphore(%arg27 : memref<!tpu.dma_semaphore, #tpu.memory_space<semaphore_mem>>)
    %dma_start3A_22 = arith.constant 4 : i32
    %dma_start3A_23 = tpu.memref_slice %arg2[%dma_start3A_22, %mul3A_2] : memref<8x16384xi32, #tpu.memory_space<hbm>> -> memref<1x512xi32, #tpu.memory_space<hbm>>
    %dma_start3A_24 = tpu.memref_squeeze %dma_start3A_23 : memref<1x512xi32, #tpu.memory_space<hbm>> -> memref<512xi32, #tpu.memory_space<hbm>>
    %dma_start3A_25 = tpu.memref_slice %arg2[%dma_start3A_22, %mul3A_2] : memref<8x16384xi32, #tpu.memory_space<hbm>> -> memref<1x512xi32, #tpu.memory_space<hbm>>
    %dma_start3A_26 = tpu.memref_squeeze %dma_start3A_25 : memref<1x512xi32, #tpu.memory_space<hbm>> -> memref<512xi32, #tpu.memory_space<hbm>>
    tpu.enqueue_dma source(%dma_start3A_26 : memref<512xi32, #tpu.memory_space<hbm>>) target(%arg11 : memref<512xi32, #tpu.memory_space<vmem>>) target_semaphore(%arg27 : memref<!tpu.dma_semaphore, #tpu.memory_space<semaphore_mem>>)
    %dma_start3A_27 = arith.constant 5 : i32
    %dma_start3A_28 = tpu.memref_slice %arg2[%dma_start3A_27, %mul3A_2] : memref<8x16384xi32, #tpu.memory_space<hbm>> -> memref<1x512xi32, #tpu.memory_space<hbm>>
    %dma_start3A_29 = tpu.memref_squeeze %dma_start3A_28 : memref<1x512xi32, #tpu.memory_space<hbm>> -> memref<512xi32, #tpu.memory_space<hbm>>
    %dma_start3A_30 = tpu.memref_slice %arg2[%dma_start3A_27, %mul3A_2] : memref<8x16384xi32, #tpu.memory_space<hbm>> -> memref<1x512xi32, #tpu.memory_space<hbm>>
    %dma_start3A_31 = tpu.memref_squeeze %dma_start3A_30 : memref<1x512xi32, #tpu.memory_space<hbm>> -> memref<512xi32, #tpu.memory_space<hbm>>
    tpu.enqueue_dma source(%dma_start3A_31 : memref<512xi32, #tpu.memory_space<hbm>>) target(%arg12 : memref<512xi32, #tpu.memory_space<vmem>>) target_semaphore(%arg27 : memref<!tpu.dma_semaphore, #tpu.memory_space<semaphore_mem>>)
    %dma_start3A_32 = arith.constant 6 : i32
    %dma_start3A_33 = tpu.memref_slice %arg2[%dma_start3A_32, %mul3A_2] : memref<8x16384xi32, #tpu.memory_space<hbm>> -> memref<1x512xi32, #tpu.memory_space<hbm>>
    %dma_start3A_34 = tpu.memref_squeeze %dma_start3A_33 : memref<1x512xi32, #tpu.memory_space<hbm>> -> memref<512xi32, #tpu.memory_space<hbm>>
    %dma_start3A_35 = tpu.memref_slice %arg2[%dma_start3A_32, %mul3A_2] : memref<8x16384xi32, #tpu.memory_space<hbm>> -> memref<1x512xi32, #tpu.memory_space<hbm>>
    %dma_start3A_36 = tpu.memref_squeeze %dma_start3A_35 : memref<1x512xi32, #tpu.memory_space<hbm>> -> memref<512xi32, #tpu.memory_space<hbm>>
    tpu.enqueue_dma source(%dma_start3A_36 : memref<512xi32, #tpu.memory_space<hbm>>) target(%arg13 : memref<512xi32, #tpu.memory_space<vmem>>) target_semaphore(%arg27 : memref<!tpu.dma_semaphore, #tpu.memory_space<semaphore_mem>>)
    %dma_start3A_37 = arith.constant 7 : i32
    %dma_start3A_38 = tpu.memref_slice %arg2[%dma_start3A_37, %mul3A_2] : memref<8x16384xi32, #tpu.memory_space<hbm>> -> memref<1x512xi32, #tpu.memory_space<hbm>>
    %dma_start3A_39 = tpu.memref_squeeze %dma_start3A_38 : memref<1x512xi32, #tpu.memory_space<hbm>> -> memref<512xi32, #tpu.memory_space<hbm>>
    %dma_start3A_40 = tpu.memref_slice %arg2[%dma_start3A_37, %mul3A_2] : memref<8x16384xi32, #tpu.memory_space<hbm>> -> memref<1x512xi32, #tpu.memory_space<hbm>>
    %dma_start3A_41 = tpu.memref_squeeze %dma_start3A_40 : memref<1x512xi32, #tpu.memory_space<hbm>> -> memref<512xi32, #tpu.memory_space<hbm>>
    tpu.enqueue_dma source(%dma_start3A_41 : memref<512xi32, #tpu.memory_space<hbm>>) target(%arg14 : memref<512xi32, #tpu.memory_space<vmem>>) target_semaphore(%arg27 : memref<!tpu.dma_semaphore, #tpu.memory_space<semaphore_mem>>)
    %dma_wait3A = arith.constant 0 : i32
    %dma_wait3A_42 = tpu.memref_slice %arg2[%dma_wait3A, %mul3A_2] : memref<8x16384xi32, #tpu.memory_space<hbm>> -> memref<1x512xi32, #tpu.memory_space<hbm>>
    %dma_wait3A_43 = tpu.memref_squeeze %dma_wait3A_42 : memref<1x512xi32, #tpu.memory_space<hbm>> -> memref<512xi32, #tpu.memory_space<hbm>>
    %dma_wait3A_44 = tpu.memref_slice %arg2[%dma_wait3A, %mul3A_2] : memref<8x16384xi32, #tpu.memory_space<hbm>> -> memref<1x512xi32, #tpu.memory_space<hbm>>
    %dma_wait3A_45 = tpu.memref_squeeze %dma_wait3A_44 : memref<1x512xi32, #tpu.memory_space<hbm>> -> memref<512xi32, #tpu.memory_space<hbm>>
    tpu.wait_dma2 semaphore(%arg27 : memref<!tpu.dma_semaphore, #tpu.memory_space<semaphore_mem>>) src(%dma_wait3A_45 : memref<512xi32, #tpu.memory_space<hbm>>) dst(%arg7 : memref<512xi32, #tpu.memory_space<vmem>>)
    %dma_start3A_46 = arith.constant 0 : i32
    %dma_start3A_47 = tpu.memref_slice %arg3[%dma_start3A_46] : memref<1000000xf32, #tpu.memory_space<hbm>> -> memref<1000000xf32, #tpu.memory_space<hbm>>
    tpu.enqueue_indirect_dma source(%dma_start3A_47 : memref<1000000xf32, #tpu.memory_space<hbm>>) target(%arg15 : memref<512xf32, #tpu.memory_space<vmem>>) offsets(%arg7 : memref<512xi32, #tpu.memory_space<vmem>>) semaphore(%arg26 : memref<!tpu.dma_semaphore, #tpu.memory_space<semaphore_mem>>)
    %dma_wait3A_48 = arith.constant 1 : i32
    %dma_wait3A_49 = tpu.memref_slice %arg2[%dma_wait3A_48, %mul3A_2] : memref<8x16384xi32, #tpu.memory_space<hbm>> -> memref<1x512xi32, #tpu.memory_space<hbm>>
    %dma_wait3A_50 = tpu.memref_squeeze %dma_wait3A_49 : memref<1x512xi32, #tpu.memory_space<hbm>> -> memref<512xi32, #tpu.memory_space<hbm>>
    %dma_wait3A_51 = tpu.memref_slice %arg2[%dma_wait3A_48, %mul3A_2] : memref<8x16384xi32, #tpu.memory_space<hbm>> -> memref<1x512xi32, #tpu.memory_space<hbm>>
    %dma_wait3A_52 = tpu.memref_squeeze %dma_wait3A_51 : memref<1x512xi32, #tpu.memory_space<hbm>> -> memref<512xi32, #tpu.memory_space<hbm>>
    tpu.wait_dma2 semaphore(%arg27 : memref<!tpu.dma_semaphore, #tpu.memory_space<semaphore_mem>>) src(%dma_wait3A_52 : memref<512xi32, #tpu.memory_space<hbm>>) dst(%arg8 : memref<512xi32, #tpu.memory_space<vmem>>)
    %dma_start3A_53 = arith.constant 0 : i32
    %dma_start3A_54 = tpu.memref_slice %arg3[%dma_start3A_53] : memref<1000000xf32, #tpu.memory_space<hbm>> -> memref<1000000xf32, #tpu.memory_space<hbm>>
    tpu.enqueue_indirect_dma source(%dma_start3A_54 : memref<1000000xf32, #tpu.memory_space<hbm>>) target(%arg16 : memref<512xf32, #tpu.memory_space<vmem>>) offsets(%arg8 : memref<512xi32, #tpu.memory_space<vmem>>) semaphore(%arg26 : memref<!tpu.dma_semaphore, #tpu.memory_space<semaphore_mem>>)
    %dma_wait3A_55 = arith.constant 2 : i32
    %dma_wait3A_56 = tpu.memref_slice %arg2[%dma_wait3A_55, %mul3A_2] : memref<8x16384xi32, #tpu.memory_space<hbm>> -> memref<1x512xi32, #tpu.memory_space<hbm>>
    %dma_wait3A_57 = tpu.memref_squeeze %dma_wait3A_56 : memref<1x512xi32, #tpu.memory_space<hbm>> -> memref<512xi32, #tpu.memory_space<hbm>>
    %dma_wait3A_58 = tpu.memref_slice %arg2[%dma_wait3A_55, %mul3A_2] : memref<8x16384xi32, #tpu.memory_space<hbm>> -> memref<1x512xi32, #tpu.memory_space<hbm>>
    %dma_wait3A_59 = tpu.memref_squeeze %dma_wait3A_58 : memref<1x512xi32, #tpu.memory_space<hbm>> -> memref<512xi32, #tpu.memory_space<hbm>>
    tpu.wait_dma2 semaphore(%arg27 : memref<!tpu.dma_semaphore, #tpu.memory_space<semaphore_mem>>) src(%dma_wait3A_59 : memref<512xi32, #tpu.memory_space<hbm>>) dst(%arg9 : memref<512xi32, #tpu.memory_space<vmem>>)
    %dma_start3A_60 = arith.constant 0 : i32
    %dma_start3A_61 = tpu.memref_slice %arg3[%dma_start3A_60] : memref<1000000xf32, #tpu.memory_space<hbm>> -> memref<1000000xf32, #tpu.memory_space<hbm>>
    tpu.enqueue_indirect_dma source(%dma_start3A_61 : memref<1000000xf32, #tpu.memory_space<hbm>>) target(%arg17 : memref<512xf32, #tpu.memory_space<vmem>>) offsets(%arg9 : memref<512xi32, #tpu.memory_space<vmem>>) semaphore(%arg26 : memref<!tpu.dma_semaphore, #tpu.memory_space<semaphore_mem>>)
    %dma_wait3A_62 = arith.constant 3 : i32
    %dma_wait3A_63 = tpu.memref_slice %arg2[%dma_wait3A_62, %mul3A_2] : memref<8x16384xi32, #tpu.memory_space<hbm>> -> memref<1x512xi32, #tpu.memory_space<hbm>>
    %dma_wait3A_64 = tpu.memref_squeeze %dma_wait3A_63 : memref<1x512xi32, #tpu.memory_space<hbm>> -> memref<512xi32, #tpu.memory_space<hbm>>
    %dma_wait3A_65 = tpu.memref_slice %arg2[%dma_wait3A_62, %mul3A_2] : memref<8x16384xi32, #tpu.memory_space<hbm>> -> memref<1x512xi32, #tpu.memory_space<hbm>>
    %dma_wait3A_66 = tpu.memref_squeeze %dma_wait3A_65 : memref<1x512xi32, #tpu.memory_space<hbm>> -> memref<512xi32, #tpu.memory_space<hbm>>
    tpu.wait_dma2 semaphore(%arg27 : memref<!tpu.dma_semaphore, #tpu.memory_space<semaphore_mem>>) src(%dma_wait3A_66 : memref<512xi32, #tpu.memory_space<hbm>>) dst(%arg10 : memref<512xi32, #tpu.memory_space<vmem>>)
    %dma_start3A_67 = arith.constant 0 : i32
    %dma_start3A_68 = tpu.memref_slice %arg3[%dma_start3A_67] : memref<1000000xf32, #tpu.memory_space<hbm>> -> memref<1000000xf32, #tpu.memory_space<hbm>>
    tpu.enqueue_indirect_dma source(%dma_start3A_68 : memref<1000000xf32, #tpu.memory_space<hbm>>) target(%arg18 : memref<512xf32, #tpu.memory_space<vmem>>) offsets(%arg10 : memref<512xi32, #tpu.memory_space<vmem>>) semaphore(%arg26 : memref<!tpu.dma_semaphore, #tpu.memory_space<semaphore_mem>>)
    %dma_wait3A_69 = arith.constant 4 : i32
    %dma_wait3A_70 = tpu.memref_slice %arg2[%dma_wait3A_69, %mul3A_2] : memref<8x16384xi32, #tpu.memory_space<hbm>> -> memref<1x512xi32, #tpu.memory_space<hbm>>
    %dma_wait3A_71 = tpu.memref_squeeze %dma_wait3A_70 : memref<1x512xi32, #tpu.memory_space<hbm>> -> memref<512xi32, #tpu.memory_space<hbm>>
    %dma_wait3A_72 = tpu.memref_slice %arg2[%dma_wait3A_69, %mul3A_2] : memref<8x16384xi32, #tpu.memory_space<hbm>> -> memref<1x512xi32, #tpu.memory_space<hbm>>
    %dma_wait3A_73 = tpu.memref_squeeze %dma_wait3A_72 : memref<1x512xi32, #tpu.memory_space<hbm>> -> memref<512xi32, #tpu.memory_space<hbm>>
    tpu.wait_dma2 semaphore(%arg27 : memref<!tpu.dma_semaphore, #tpu.memory_space<semaphore_mem>>) src(%dma_wait3A_73 : memref<512xi32, #tpu.memory_space<hbm>>) dst(%arg11 : memref<512xi32, #tpu.memory_space<vmem>>)
    %dma_start3A_74 = arith.constant 0 : i32
    %dma_start3A_75 = tpu.memref_slice %arg4[%dma_start3A_74] : memref<1000000xf32, #tpu.memory_space<hbm>> -> memref<1000000xf32, #tpu.memory_space<hbm>>
    tpu.enqueue_indirect_dma source(%dma_start3A_75 : memref<1000000xf32, #tpu.memory_space<hbm>>) target(%arg19 : memref<512xf32, #tpu.memory_space<vmem>>) offsets(%arg11 : memref<512xi32, #tpu.memory_space<vmem>>) semaphore(%arg26 : memref<!tpu.dma_semaphore, #tpu.memory_space<semaphore_mem>>)
    %dma_wait3A_76 = arith.constant 5 : i32
    %dma_wait3A_77 = tpu.memref_slice %arg2[%dma_wait3A_76, %mul3A_2] : memref<8x16384xi32, #tpu.memory_space<hbm>> -> memref<1x512xi32, #tpu.memory_space<hbm>>
    %dma_wait3A_78 = tpu.memref_squeeze %dma_wait3A_77 : memref<1x512xi32, #tpu.memory_space<hbm>> -> memref<512xi32, #tpu.memory_space<hbm>>
    %dma_wait3A_79 = tpu.memref_slice %arg2[%dma_wait3A_76, %mul3A_2] : memref<8x16384xi32, #tpu.memory_space<hbm>> -> memref<1x512xi32, #tpu.memory_space<hbm>>
    %dma_wait3A_80 = tpu.memref_squeeze %dma_wait3A_79 : memref<1x512xi32, #tpu.memory_space<hbm>> -> memref<512xi32, #tpu.memory_space<hbm>>
    tpu.wait_dma2 semaphore(%arg27 : memref<!tpu.dma_semaphore, #tpu.memory_space<semaphore_mem>>) src(%dma_wait3A_80 : memref<512xi32, #tpu.memory_space<hbm>>) dst(%arg12 : memref<512xi32, #tpu.memory_space<vmem>>)
    %dma_start3A_81 = arith.constant 0 : i32
    %dma_start3A_82 = tpu.memref_slice %arg4[%dma_start3A_81] : memref<1000000xf32, #tpu.memory_space<hbm>> -> memref<1000000xf32, #tpu.memory_space<hbm>>
    tpu.enqueue_indirect_dma source(%dma_start3A_82 : memref<1000000xf32, #tpu.memory_space<hbm>>) target(%arg20 : memref<512xf32, #tpu.memory_space<vmem>>) offsets(%arg12 : memref<512xi32, #tpu.memory_space<vmem>>) semaphore(%arg26 : memref<!tpu.dma_semaphore, #tpu.memory_space<semaphore_mem>>)
    %dma_wait3A_83 = arith.constant 6 : i32
    %dma_wait3A_84 = tpu.memref_slice %arg2[%dma_wait3A_83, %mul3A_2] : memref<8x16384xi32, #tpu.memory_space<hbm>> -> memref<1x512xi32, #tpu.memory_space<hbm>>
    %dma_wait3A_85 = tpu.memref_squeeze %dma_wait3A_84 : memref<1x512xi32, #tpu.memory_space<hbm>> -> memref<512xi32, #tpu.memory_space<hbm>>
    %dma_wait3A_86 = tpu.memref_slice %arg2[%dma_wait3A_83, %mul3A_2] : memref<8x16384xi32, #tpu.memory_space<hbm>> -> memref<1x512xi32, #tpu.memory_space<hbm>>
    %dma_wait3A_87 = tpu.memref_squeeze %dma_wait3A_86 : memref<1x512xi32, #tpu.memory_space<hbm>> -> memref<512xi32, #tpu.memory_space<hbm>>
    tpu.wait_dma2 semaphore(%arg27 : memref<!tpu.dma_semaphore, #tpu.memory_space<semaphore_mem>>) src(%dma_wait3A_87 : memref<512xi32, #tpu.memory_space<hbm>>) dst(%arg13 : memref<512xi32, #tpu.memory_space<vmem>>)
    %dma_start3A_88 = arith.constant 0 : i32
    %dma_start3A_89 = tpu.memref_slice %arg4[%dma_start3A_88] : memref<1000000xf32, #tpu.memory_space<hbm>> -> memref<1000000xf32, #tpu.memory_space<hbm>>
    tpu.enqueue_indirect_dma source(%dma_start3A_89 : memref<1000000xf32, #tpu.memory_space<hbm>>) target(%arg21 : memref<512xf32, #tpu.memory_space<vmem>>) offsets(%arg13 : memref<512xi32, #tpu.memory_space<vmem>>) semaphore(%arg26 : memref<!tpu.dma_semaphore, #tpu.memory_space<semaphore_mem>>)
    %dma_wait3A_90 = arith.constant 7 : i32
    %dma_wait3A_91 = tpu.memref_slice %arg2[%dma_wait3A_90, %mul3A_2] : memref<8x16384xi32, #tpu.memory_space<hbm>> -> memref<1x512xi32, #tpu.memory_space<hbm>>
    %dma_wait3A_92 = tpu.memref_squeeze %dma_wait3A_91 : memref<1x512xi32, #tpu.memory_space<hbm>> -> memref<512xi32, #tpu.memory_space<hbm>>
    %dma_wait3A_93 = tpu.memref_slice %arg2[%dma_wait3A_90, %mul3A_2] : memref<8x16384xi32, #tpu.memory_space<hbm>> -> memref<1x512xi32, #tpu.memory_space<hbm>>
    %dma_wait3A_94 = tpu.memref_squeeze %dma_wait3A_93 : memref<1x512xi32, #tpu.memory_space<hbm>> -> memref<512xi32, #tpu.memory_space<hbm>>
    tpu.wait_dma2 semaphore(%arg27 : memref<!tpu.dma_semaphore, #tpu.memory_space<semaphore_mem>>) src(%dma_wait3A_94 : memref<512xi32, #tpu.memory_space<hbm>>) dst(%arg14 : memref<512xi32, #tpu.memory_space<vmem>>)
    %dma_start3A_95 = arith.constant 0 : i32
    %dma_start3A_96 = tpu.memref_slice %arg4[%dma_start3A_95] : memref<1000000xf32, #tpu.memory_space<hbm>> -> memref<1000000xf32, #tpu.memory_space<hbm>>
    tpu.enqueue_indirect_dma source(%dma_start3A_96 : memref<1000000xf32, #tpu.memory_space<hbm>>) target(%arg22 : memref<512xf32, #tpu.memory_space<vmem>>) offsets(%arg14 : memref<512xi32, #tpu.memory_space<vmem>>) semaphore(%arg26 : memref<!tpu.dma_semaphore, #tpu.memory_space<semaphore_mem>>)
    %eq3A = arith.constant 0 : i32
    %eq3A_97 = arith.cmpi eq, %add3A, %eq3A : i32
    %convert_element_type3A = arith.extui %eq3A_97 : i1 to i32
    %cond3A = arith.constant 0 : i32
    %cond3A_98 = arith.cmpi ne, %convert_element_type3A, %cond3A : i32
    scf.if %cond3A_98 {
      "tpu.region"() ({
        %run_scoped3A = tpu.sem_alloc : memref<!tpu.dma_semaphore, #tpu.memory_space<semaphore_mem>>
        %dma_start3A_135 = arith.constant 999424 : i32
        %dma_start3A_136 = tpu.memref_slice %arg3[%dma_start3A_135] : memref<1000000xf32, #tpu.memory_space<hbm>> -> memref<576xf32, #tpu.memory_space<hbm>>
        %dma_start3A_137 = arith.constant 999424 : i32
        %dma_start3A_138 = tpu.memref_slice %arg3[%dma_start3A_137] : memref<1000000xf32, #tpu.memory_space<hbm>> -> memref<576xf32, #tpu.memory_space<hbm>>
        tpu.enqueue_dma source(%dma_start3A_138 : memref<576xf32, #tpu.memory_space<hbm>>) target(%arg24 : memref<576xf32, #tpu.memory_space<vmem>>) target_semaphore(%run_scoped3A : memref<!tpu.dma_semaphore, #tpu.memory_space<semaphore_mem>>)
        %dma_wait3A_139 = arith.constant 999424 : i32
        %dma_wait3A_140 = tpu.memref_slice %arg3[%dma_wait3A_139] : memref<1000000xf32, #tpu.memory_space<hbm>> -> memref<576xf32, #tpu.memory_space<hbm>>
        %dma_wait3A_141 = arith.constant 999424 : i32
        %dma_wait3A_142 = tpu.memref_slice %arg3[%dma_wait3A_141] : memref<1000000xf32, #tpu.memory_space<hbm>> -> memref<576xf32, #tpu.memory_space<hbm>>
        tpu.wait_dma2 semaphore(%run_scoped3A : memref<!tpu.dma_semaphore, #tpu.memory_space<semaphore_mem>>) src(%dma_wait3A_142 : memref<576xf32, #tpu.memory_space<hbm>>) dst(%arg24 : memref<576xf32, #tpu.memory_space<vmem>>)
        tpu.yield
      }) : () -> ()
      %broadcast_in_dim3A = arith.constant 0.000000e+00 : f32
      %broadcast_in_dim3A_125 = vector.broadcast %broadcast_in_dim3A : f32 to vector<16xf32>
      %scan3A_126 = arith.constant 0 : i32
      %scan3A_127 = arith.constant 36 : i32
      %scan3A_128 = arith.addi %scan3A_126, %scan3A_127 : i32
      %scan3A_129 = arith.constant 1 : i32
      %scan3A_130 = scf.for %scan3A_135 = %scan3A_126 to %scan3A_128 step %scan3A_129 iter_args(%scan3A_136 = %broadcast_in_dim3A_125) -> (vector<16xf32>)  : i32 {
        %mul3A_137 = arith.constant 16 : i32
        %mul3A_138 = arith.muli %scan3A_135, %mul3A_137 : i32
        %get3A = arith.index_cast %mul3A_138 : i32 to index
        %get3A_139 = tpu.vector_load %arg24[%get3A] {strides = array<i32>} : memref<576xf32, #tpu.memory_space<vmem>>, vector<16xf32>,
        %get3A_140 = vector.shape_cast %get3A_139 : vector<16xf32> to vector<16xf32>
        %mul3A_141 = arith.mulf %get3A_140, %get3A_140 : vector<16xf32>
        %add3A_142 = arith.addf %scan3A_136, %mul3A_141 : vector<16xf32>
        scf.yield %add3A_142 : vector<16xf32>
      }
      %scan3A_131 = arith.constant 36 : i32
      %swap3A = arith.constant 0 : index
      %swap3A_132 = tpu.vector_load %arg25[%swap3A] {strides = array<i32>} : memref<16xf32, #tpu.memory_space<vmem>>, vector<16xf32>,
      %swap3A_133 = vector.shape_cast %swap3A_132 : vector<16xf32> to vector<16xf32>
      %swap3A_134 = vector.shape_cast %scan3A_130 : vector<16xf32> to vector<16xf32>
      tpu.vector_store %arg25[%swap3A], %swap3A_134 {strides = array<i32>} : memref<16xf32, #tpu.memory_space<vmem>>, vector<16xf32>,
      "tpu.region"() ({
        %run_scoped3A = tpu.sem_alloc : memref<!tpu.dma_semaphore, #tpu.memory_space<semaphore_mem>>
        %dma_start3A_135 = arith.constant 0 : i32
        %dma_start3A_136 = tpu.memref_slice %arg6[%dma_start3A_135] : memref<32xf32, #tpu.memory_space<hbm>> -> memref<16xf32, #tpu.memory_space<hbm>>
        %dma_start3A_137 = arith.constant 0 : i32
        %dma_start3A_138 = tpu.memref_slice %arg6[%dma_start3A_137] : memref<32xf32, #tpu.memory_space<hbm>> -> memref<16xf32, #tpu.memory_space<hbm>>
        tpu.enqueue_dma source(%arg25 : memref<16xf32, #tpu.memory_space<vmem>>) target(%dma_start3A_138 : memref<16xf32, #tpu.memory_space<hbm>>) target_semaphore(%run_scoped3A : memref<!tpu.dma_semaphore, #tpu.memory_space<semaphore_mem>>)
        %dma_wait3A_139 = arith.constant 0 : i32
        %dma_wait3A_140 = tpu.memref_slice %arg6[%dma_wait3A_139] : memref<32xf32, #tpu.memory_space<hbm>> -> memref<16xf32, #tpu.memory_space<hbm>>
        %dma_wait3A_141 = arith.constant 0 : i32
        %dma_wait3A_142 = tpu.memref_slice %arg6[%dma_wait3A_141] : memref<32xf32, #tpu.memory_space<hbm>> -> memref<16xf32, #tpu.memory_space<hbm>>
        tpu.wait_dma2 semaphore(%run_scoped3A : memref<!tpu.dma_semaphore, #tpu.memory_space<semaphore_mem>>) src(%arg25 : memref<16xf32, #tpu.memory_space<vmem>>) dst(%dma_wait3A_142 : memref<16xf32, #tpu.memory_space<hbm>>)
        tpu.yield
      }) : () -> ()
    } else {
    }
    %eq3A_99 = arith.constant 1 : i32
    %eq3A_100 = arith.cmpi eq, %add3A, %eq3A_99 : i32
    %convert_element_type3A_101 = arith.extui %eq3A_100 : i1 to i32
    %cond3A_102 = arith.constant 0 : i32
    %cond3A_103 = arith.cmpi ne, %convert_element_type3A_101, %cond3A_102 : i32
    scf.if %cond3A_103 {
      "tpu.region"() ({
        %run_scoped3A = tpu.sem_alloc : memref<!tpu.dma_semaphore, #tpu.memory_space<semaphore_mem>>
        %dma_start3A_135 = arith.constant 999424 : i32
        %dma_start3A_136 = tpu.memref_slice %arg4[%dma_start3A_135] : memref<1000000xf32, #tpu.memory_space<hbm>> -> memref<576xf32, #tpu.memory_space<hbm>>
        %dma_start3A_137 = arith.constant 999424 : i32
        %dma_start3A_138 = tpu.memref_slice %arg4[%dma_start3A_137] : memref<1000000xf32, #tpu.memory_space<hbm>> -> memref<576xf32, #tpu.memory_space<hbm>>
        tpu.enqueue_dma source(%dma_start3A_138 : memref<576xf32, #tpu.memory_space<hbm>>) target(%arg24 : memref<576xf32, #tpu.memory_space<vmem>>) target_semaphore(%run_scoped3A : memref<!tpu.dma_semaphore, #tpu.memory_space<semaphore_mem>>)
        %dma_wait3A_139 = arith.constant 999424 : i32
        %dma_wait3A_140 = tpu.memref_slice %arg4[%dma_wait3A_139] : memref<1000000xf32, #tpu.memory_space<hbm>> -> memref<576xf32, #tpu.memory_space<hbm>>
        %dma_wait3A_141 = arith.constant 999424 : i32
        %dma_wait3A_142 = tpu.memref_slice %arg4[%dma_wait3A_141] : memref<1000000xf32, #tpu.memory_space<hbm>> -> memref<576xf32, #tpu.memory_space<hbm>>
        tpu.wait_dma2 semaphore(%run_scoped3A : memref<!tpu.dma_semaphore, #tpu.memory_space<semaphore_mem>>) src(%dma_wait3A_142 : memref<576xf32, #tpu.memory_space<hbm>>) dst(%arg24 : memref<576xf32, #tpu.memory_space<vmem>>)
        tpu.yield
      }) : () -> ()
      %broadcast_in_dim3A = arith.constant 0.000000e+00 : f32
      %broadcast_in_dim3A_125 = vector.broadcast %broadcast_in_dim3A : f32 to vector<16xf32>
      %scan3A_126 = arith.constant 0 : i32
      %scan3A_127 = arith.constant 36 : i32
      %scan3A_128 = arith.addi %scan3A_126, %scan3A_127 : i32
      %scan3A_129 = arith.constant 1 : i32
      %scan3A_130 = scf.for %scan3A_135 = %scan3A_126 to %scan3A_128 step %scan3A_129 iter_args(%scan3A_136 = %broadcast_in_dim3A_125) -> (vector<16xf32>)  : i32 {
        %mul3A_137 = arith.constant 16 : i32
        %mul3A_138 = arith.muli %scan3A_135, %mul3A_137 : i32
        %get3A = arith.index_cast %mul3A_138 : i32 to index
        %get3A_139 = tpu.vector_load %arg24[%get3A] {strides = array<i32>} : memref<576xf32, #tpu.memory_space<vmem>>, vector<16xf32>,
        %get3A_140 = vector.shape_cast %get3A_139 : vector<16xf32> to vector<16xf32>
        %mul3A_141 = arith.mulf %get3A_140, %get3A_140 : vector<16xf32>
        %add3A_142 = arith.addf %scan3A_136, %mul3A_141 : vector<16xf32>
        scf.yield %add3A_142 : vector<16xf32>
      }
      %scan3A_131 = arith.constant 36 : i32
      %swap3A = arith.constant 0 : index
      %swap3A_132 = tpu.vector_load %arg25[%swap3A] {strides = array<i32>} : memref<16xf32, #tpu.memory_space<vmem>>, vector<16xf32>,
      %swap3A_133 = vector.shape_cast %swap3A_132 : vector<16xf32> to vector<16xf32>
      %swap3A_134 = vector.shape_cast %scan3A_130 : vector<16xf32> to vector<16xf32>
      tpu.vector_store %arg25[%swap3A], %swap3A_134 {strides = array<i32>} : memref<16xf32, #tpu.memory_space<vmem>>, vector<16xf32>,
      "tpu.region"() ({
        %run_scoped3A = tpu.sem_alloc : memref<!tpu.dma_semaphore, #tpu.memory_space<semaphore_mem>>
        %dma_start3A_135 = arith.constant 16 : i32
        %dma_start3A_136 = tpu.memref_slice %arg6[%dma_start3A_135] : memref<32xf32, #tpu.memory_space<hbm>> -> memref<16xf32, #tpu.memory_space<hbm>>
        %dma_start3A_137 = arith.constant 16 : i32
        %dma_start3A_138 = tpu.memref_slice %arg6[%dma_start3A_137] : memref<32xf32, #tpu.memory_space<hbm>> -> memref<16xf32, #tpu.memory_space<hbm>>
        tpu.enqueue_dma source(%arg25 : memref<16xf32, #tpu.memory_space<vmem>>) target(%dma_start3A_138 : memref<16xf32, #tpu.memory_space<hbm>>) target_semaphore(%run_scoped3A : memref<!tpu.dma_semaphore, #tpu.memory_space<semaphore_mem>>)
        %dma_wait3A_139 = arith.constant 16 : i32
        %dma_wait3A_140 = tpu.memref_slice %arg6[%dma_wait3A_139] : memref<32xf32, #tpu.memory_space<hbm>> -> memref<16xf32, #tpu.memory_space<hbm>>
        %dma_wait3A_141 = arith.constant 16 : i32
        %dma_wait3A_142 = tpu.memref_slice %arg6[%dma_wait3A_141] : memref<32xf32, #tpu.memory_space<hbm>> -> memref<16xf32, #tpu.memory_space<hbm>>
        tpu.wait_dma2 semaphore(%run_scoped3A : memref<!tpu.dma_semaphore, #tpu.memory_space<semaphore_mem>>) src(%arg25 : memref<16xf32, #tpu.memory_space<vmem>>) dst(%dma_wait3A_142 : memref<16xf32, #tpu.memory_space<hbm>>)
        tpu.yield
      }) : () -> ()
    } else {
    }
    %dma_wait3A_104 = arith.constant 0 : i32
    %dma_wait3A_105 = tpu.memref_slice %arg3[%dma_wait3A_104] : memref<1000000xf32, #tpu.memory_space<hbm>> -> memref<1000000xf32, #tpu.memory_space<hbm>>
    tpu.wait_indirect_dma semaphore(%arg26 : memref<!tpu.dma_semaphore, #tpu.memory_space<semaphore_mem>>) src(%dma_wait3A_105 : memref<1000000xf32, #tpu.memory_space<hbm>>) dst(%arg15 : memref<512xf32, #tpu.memory_space<vmem>>)
    %dma_wait3A_106 = arith.constant 0 : i32
    %dma_wait3A_107 = tpu.memref_slice %arg3[%dma_wait3A_106] : memref<1000000xf32, #tpu.memory_space<hbm>> -> memref<1000000xf32, #tpu.memory_space<hbm>>
    tpu.wait_indirect_dma semaphore(%arg26 : memref<!tpu.dma_semaphore, #tpu.memory_space<semaphore_mem>>) src(%dma_wait3A_107 : memref<1000000xf32, #tpu.memory_space<hbm>>) dst(%arg16 : memref<512xf32, #tpu.memory_space<vmem>>)
    %dma_wait3A_108 = arith.constant 0 : i32
    %dma_wait3A_109 = tpu.memref_slice %arg3[%dma_wait3A_108] : memref<1000000xf32, #tpu.memory_space<hbm>> -> memref<1000000xf32, #tpu.memory_space<hbm>>
    tpu.wait_indirect_dma semaphore(%arg26 : memref<!tpu.dma_semaphore, #tpu.memory_space<semaphore_mem>>) src(%dma_wait3A_109 : memref<1000000xf32, #tpu.memory_space<hbm>>) dst(%arg17 : memref<512xf32, #tpu.memory_space<vmem>>)
    %dma_wait3A_110 = arith.constant 0 : i32
    %dma_wait3A_111 = tpu.memref_slice %arg3[%dma_wait3A_110] : memref<1000000xf32, #tpu.memory_space<hbm>> -> memref<1000000xf32, #tpu.memory_space<hbm>>
    tpu.wait_indirect_dma semaphore(%arg26 : memref<!tpu.dma_semaphore, #tpu.memory_space<semaphore_mem>>) src(%dma_wait3A_111 : memref<1000000xf32, #tpu.memory_space<hbm>>) dst(%arg18 : memref<512xf32, #tpu.memory_space<vmem>>)
    %dma_wait3A_112 = arith.constant 0 : i32
    %dma_wait3A_113 = tpu.memref_slice %arg4[%dma_wait3A_112] : memref<1000000xf32, #tpu.memory_space<hbm>> -> memref<1000000xf32, #tpu.memory_space<hbm>>
    tpu.wait_indirect_dma semaphore(%arg26 : memref<!tpu.dma_semaphore, #tpu.memory_space<semaphore_mem>>) src(%dma_wait3A_113 : memref<1000000xf32, #tpu.memory_space<hbm>>) dst(%arg19 : memref<512xf32, #tpu.memory_space<vmem>>)
    %dma_wait3A_114 = arith.constant 0 : i32
    %dma_wait3A_115 = tpu.memref_slice %arg4[%dma_wait3A_114] : memref<1000000xf32, #tpu.memory_space<hbm>> -> memref<1000000xf32, #tpu.memory_space<hbm>>
    tpu.wait_indirect_dma semaphore(%arg26 : memref<!tpu.dma_semaphore, #tpu.memory_space<semaphore_mem>>) src(%dma_wait3A_115 : memref<1000000xf32, #tpu.memory_space<hbm>>) dst(%arg20 : memref<512xf32, #tpu.memory_space<vmem>>)
    %dma_wait3A_116 = arith.constant 0 : i32
    %dma_wait3A_117 = tpu.memref_slice %arg4[%dma_wait3A_116] : memref<1000000xf32, #tpu.memory_space<hbm>> -> memref<1000000xf32, #tpu.memory_space<hbm>>
    tpu.wait_indirect_dma semaphore(%arg26 : memref<!tpu.dma_semaphore, #tpu.memory_space<semaphore_mem>>) src(%dma_wait3A_117 : memref<1000000xf32, #tpu.memory_space<hbm>>) dst(%arg21 : memref<512xf32, #tpu.memory_space<vmem>>)
    %dma_wait3A_118 = arith.constant 0 : i32
    %dma_wait3A_119 = tpu.memref_slice %arg4[%dma_wait3A_118] : memref<1000000xf32, #tpu.memory_space<hbm>> -> memref<1000000xf32, #tpu.memory_space<hbm>>
    tpu.wait_indirect_dma semaphore(%arg26 : memref<!tpu.dma_semaphore, #tpu.memory_space<semaphore_mem>>) src(%dma_wait3A_119 : memref<1000000xf32, #tpu.memory_space<hbm>>) dst(%arg22 : memref<512xf32, #tpu.memory_space<vmem>>)
    %scan3A = arith.constant 0 : i32
    %scan3A_120 = arith.constant 0 : i32
    %scan3A_121 = arith.constant 32 : i32
    %scan3A_122 = arith.addi %scan3A_120, %scan3A_121 : i32
    %scan3A_123 = arith.constant 1 : i32
    scf.for %scan3A_125 = %scan3A_120 to %scan3A_122 step %scan3A_123  : i32 {
      %mul3A_126 = arith.constant 16 : i32
      %mul3A_127 = arith.muli %scan3A_125, %mul3A_126 : i32
      %get3A = arith.index_cast %mul3A_127 : i32 to index
      %get3A_128 = tpu.vector_load %arg15[%get3A] {strides = array<i32>} : memref<512xf32, #tpu.memory_space<vmem>>, vector<16xf32>,
      %get3A_129 = vector.shape_cast %get3A_128 : vector<16xf32> to vector<16xf32>
      %get3A_130 = arith.index_cast %mul3A_127 : i32 to index
      %get3A_131 = tpu.vector_load %arg16[%get3A_130] {strides = array<i32>} : memref<512xf32, #tpu.memory_space<vmem>>, vector<16xf32>,
      %get3A_132 = vector.shape_cast %get3A_131 : vector<16xf32> to vector<16xf32>
      %mul3A_133 = arith.mulf %get3A_129, %get3A_132 : vector<16xf32>
      %get3A_134 = arith.index_cast %mul3A_127 : i32 to index
      %get3A_135 = tpu.vector_load %arg17[%get3A_134] {strides = array<i32>} : memref<512xf32, #tpu.memory_space<vmem>>, vector<16xf32>,
      %get3A_136 = vector.shape_cast %get3A_135 : vector<16xf32> to vector<16xf32>
      %mul3A_137 = arith.mulf %mul3A_133, %get3A_136 : vector<16xf32>
      %get3A_138 = arith.index_cast %mul3A_127 : i32 to index
      %get3A_139 = tpu.vector_load %arg18[%get3A_138] {strides = array<i32>} : memref<512xf32, #tpu.memory_space<vmem>>, vector<16xf32>,
      %get3A_140 = vector.shape_cast %get3A_139 : vector<16xf32> to vector<16xf32>
      %mul3A_141 = arith.mulf %mul3A_137, %get3A_140 : vector<16xf32>
      %get3A_142 = arith.index_cast %mul3A_127 : i32 to index
      %get3A_143 = tpu.vector_load %arg19[%get3A_142] {strides = array<i32>} : memref<512xf32, #tpu.memory_space<vmem>>, vector<16xf32>,
      %get3A_144 = vector.shape_cast %get3A_143 : vector<16xf32> to vector<16xf32>
      %mul3A_145 = arith.mulf %mul3A_141, %get3A_144 : vector<16xf32>
      %get3A_146 = arith.index_cast %mul3A_127 : i32 to index
      %get3A_147 = tpu.vector_load %arg20[%get3A_146] {strides = array<i32>} : memref<512xf32, #tpu.memory_space<vmem>>, vector<16xf32>,
      %get3A_148 = vector.shape_cast %get3A_147 : vector<16xf32> to vector<16xf32>
      %mul3A_149 = arith.mulf %mul3A_145, %get3A_148 : vector<16xf32>
      %get3A_150 = arith.index_cast %mul3A_127 : i32 to index
      %get3A_151 = tpu.vector_load %arg21[%get3A_150] {strides = array<i32>} : memref<512xf32, #tpu.memory_space<vmem>>, vector<16xf32>,
      %get3A_152 = vector.shape_cast %get3A_151 : vector<16xf32> to vector<16xf32>
      %mul3A_153 = arith.mulf %mul3A_149, %get3A_152 : vector<16xf32>
      %get3A_154 = arith.index_cast %mul3A_127 : i32 to index
      %get3A_155 = tpu.vector_load %arg22[%get3A_154] {strides = array<i32>} : memref<512xf32, #tpu.memory_space<vmem>>, vector<16xf32>,
      %get3A_156 = vector.shape_cast %get3A_155 : vector<16xf32> to vector<16xf32>
      %mul3A_157 = arith.mulf %mul3A_153, %get3A_156 : vector<16xf32>
      %swap3A = arith.index_cast %mul3A_127 : i32 to index
      %swap3A_158 = tpu.vector_load %arg23[%swap3A] {strides = array<i32>} : memref<512xf32, #tpu.memory_space<vmem>>, vector<16xf32>,
      %swap3A_159 = vector.shape_cast %swap3A_158 : vector<16xf32> to vector<16xf32>
      %swap3A_160 = vector.shape_cast %mul3A_157 : vector<16xf32> to vector<16xf32>
      tpu.vector_store %arg23[%swap3A], %swap3A_160 {strides = array<i32>} : memref<512xf32, #tpu.memory_space<vmem>>, vector<16xf32>,
    }
    %scan3A_124 = arith.constant 32 : i32
    "tpu.region"() ({
      %run_scoped3A = tpu.sem_alloc : memref<!tpu.dma_semaphore, #tpu.memory_space<semaphore_mem>>
      %dma_start3A_125 = tpu.memref_slice %arg5[%mul3A_2] : memref<16384xf32, #tpu.memory_space<hbm>> -> memref<512xf32, #tpu.memory_space<hbm>>
      %dma_start3A_126 = tpu.memref_slice %arg5[%mul3A_2] : memref<16384xf32, #tpu.memory_space<hbm>> -> memref<512xf32, #tpu.memory_space<hbm>>
      tpu.enqueue_dma source(%arg23 : memref<512xf32, #tpu.memory_space<vmem>>) target(%dma_start3A_126 : memref<512xf32, #tpu.memory_space<hbm>>) target_semaphore(%run_scoped3A : memref<!tpu.dma_semaphore, #tpu.memory_space<semaphore_mem>>)
      %dma_wait3A_127 = tpu.memref_slice %arg5[%mul3A_2] : memref<16384xf32, #tpu.memory_space<hbm>> -> memref<512xf32, #tpu.memory_space<hbm>>
      %dma_wait3A_128 = tpu.memref_slice %arg5[%mul3A_2] : memref<16384xf32, #tpu.memory_space<hbm>> -> memref<512xf32, #tpu.memory_space<hbm>>
      tpu.wait_dma2 semaphore(%run_scoped3A : memref<!tpu.dma_semaphore, #tpu.memory_space<semaphore_mem>>) src(%arg23 : memref<512xf32, #tpu.memory_space<vmem>>) dst(%dma_wait3A_128 : memref<512xf32, #tpu.memory_space<hbm>>)
      tpu.yield
    }) : () -> ()
    return
  }
}

module attributes {stable_mosaic.version = 14 : i64} {
  func.func @body(%arg0: memref<16384xf32, #tpu.memory_space<vmem>>, %arg1: memref<1x2xf32, #tpu.memory_space<vmem>>, %arg2: memref<32xf32, #tpu.memory_space<vmem>>, %arg3: memref<16384xf32, #tpu.memory_space<vmem>>) attributes {dimension_semantics = [], scalar_prefetch = 0 : i64, scratch_operands = 0 : i64, tpu.core_type = #tpu.core_type<tc>} {
    %get3A = arith.constant 0 : index
    %get3A_0 = arith.constant 0 : index
    %get3A_1 = vector.load %arg1[%get3A, %get3A_0] : memref<1x2xf32, #tpu.memory_space<vmem>>, vector<1x1xf32>
    %get3A_2 = vector.extract %get3A_1[0, 0] : f32 from vector<1x1xf32>
    %get3A_3 = arith.constant 0 : index
    %get3A_4 = vector.load %arg2[%get3A_3] : memref<32xf32, #tpu.memory_space<vmem>>, vector<16xf32>
    %reduce_sum3A = vector.shape_cast %get3A_4 : vector<16xf32> to vector<1x16xf32>
    %reduce_sum3A_5 = arith.constant dense<0.000000e+00> : vector<1xf32>
    %reduce_sum3A_6 = vector.multi_reduction <add>, %reduce_sum3A, %reduce_sum3A_5 [1] : vector<1x16xf32> to vector<1xf32>
    %reduce_sum3A_7 = vector.shape_cast %reduce_sum3A_6 : vector<1xf32> to vector<1x1xf32>
    %reduce_sum3A_8 = vector.extract %reduce_sum3A_7[0, 0] : f32 from vector<1x1xf32>
    %add3A = arith.addf %get3A_2, %reduce_sum3A_8 : f32
    %get3A_9 = arith.constant 0 : index
    %get3A_10 = arith.constant 1 : index
    %get3A_11 = vector.load %arg1[%get3A_9, %get3A_10] : memref<1x2xf32, #tpu.memory_space<vmem>>, vector<1x1xf32>
    %get3A_12 = vector.extract %get3A_11[0, 0] : f32 from vector<1x1xf32>
    %get3A_13 = arith.constant 16 : index
    %get3A_14 = vector.load %arg2[%get3A_13] : memref<32xf32, #tpu.memory_space<vmem>>, vector<16xf32>
    %reduce_sum3A_15 = vector.shape_cast %get3A_14 : vector<16xf32> to vector<1x16xf32>
    %reduce_sum3A_16 = arith.constant dense<0.000000e+00> : vector<1xf32>
    %reduce_sum3A_17 = vector.multi_reduction <add>, %reduce_sum3A_15, %reduce_sum3A_16 [1] : vector<1x16xf32> to vector<1xf32>
    %reduce_sum3A_18 = vector.shape_cast %reduce_sum3A_17 : vector<1xf32> to vector<1x1xf32>
    %reduce_sum3A_19 = vector.extract %reduce_sum3A_18[0, 0] : f32 from vector<1x1xf32>
    %add3A_20 = arith.addf %get3A_12, %reduce_sum3A_19 : f32
    %mul3A = arith.mulf %add3A, %add3A : f32
    %mul3A_21 = arith.mulf %add3A_20, %add3A_20 : f32
    %mul3A_22 = arith.mulf %mul3A, %mul3A_21 : f32
    %div3A = arith.constant 9.99999995E+11 : f32
    %div3A_23 = arith.divf %div3A, %mul3A_22 : f32
    %get3A_24 = arith.constant 0 : index
    %get3A_25 = vector.load %arg0[%get3A_24] : memref<16384xf32, #tpu.memory_space<vmem>>, vector<16384xf32>
    %mul3A_26 = vector.broadcast %div3A_23 : f32 to vector<16384xf32>
    %mul3A_27 = arith.mulf %get3A_25, %mul3A_26 : vector<16384xf32>
    %swap3A = arith.constant 0 : index
    %swap3A_28 = vector.load %arg3[%swap3A] : memref<16384xf32, #tpu.memory_space<vmem>>, vector<16384xf32>
    tpu.vector_store %arg3[%swap3A], %mul3A_27 {strides = array<i32>} : memref<16384xf32, #tpu.memory_space<vmem>>, vector<16384xf32>,
    return
  }
}

module attributes {stable_mosaic.version = 14 : i64} {
  func.func @body(%arg0: memref<1000000xf32, #tpu.memory_space<hbm>>, %arg1: memref<1000000xf32, #tpu.memory_space<hbm>>, %arg2: memref<1x2xf32, #tpu.memory_space<vmem>>, %arg3: memref<8x124928xf32, #tpu.memory_space<vmem>>, %arg4: memref<8x124928xf32, #tpu.memory_space<vmem>>, %arg5: memref<!tpu.dma_semaphore, #tpu.memory_space<semaphore_mem>>, %arg6: memref<!tpu.dma_semaphore, #tpu.memory_space<semaphore_mem>>) attributes {dimension_semantics = [], scalar_prefetch = 0 : i64, scratch_operands = 4 : i64, tpu.core_type = #tpu.core_type<tc>} {
    %dma_start3A = arith.constant 0 : i32
    %dma_start3A_0 = arith.constant 0 : i32
    %dma_start3A_1 = tpu.memref_slice %arg3[%dma_start3A, %dma_start3A_0] : memref<8x124928xf32, #tpu.memory_space<vmem>> -> memref<1x124928xf32, #tpu.memory_space<vmem>>
    %dma_start3A_2 = tpu.memref_squeeze %dma_start3A_1 : memref<1x124928xf32, #tpu.memory_space<vmem>> -> memref<124928xf32, #tpu.memory_space<vmem>>
    %dma_start3A_3 = arith.constant 0 : i32
    %dma_start3A_4 = tpu.memref_slice %arg0[%dma_start3A_3] : memref<1000000xf32, #tpu.memory_space<hbm>> -> memref<124928xf32, #tpu.memory_space<hbm>>
    tpu.enqueue_dma source(%dma_start3A_4 : memref<124928xf32, #tpu.memory_space<hbm>>) target(%dma_start3A_2 : memref<124928xf32, #tpu.memory_space<vmem>>) target_semaphore(%arg5 : memref<!tpu.dma_semaphore, #tpu.memory_space<semaphore_mem>>)
    %dma_start3A_5 = arith.constant 1 : i32
    %dma_start3A_6 = arith.constant 0 : i32
    %dma_start3A_7 = tpu.memref_slice %arg3[%dma_start3A_5, %dma_start3A_6] : memref<8x124928xf32, #tpu.memory_space<vmem>> -> memref<1x124928xf32, #tpu.memory_space<vmem>>
    %dma_start3A_8 = tpu.memref_squeeze %dma_start3A_7 : memref<1x124928xf32, #tpu.memory_space<vmem>> -> memref<124928xf32, #tpu.memory_space<vmem>>
    %dma_start3A_9 = arith.constant 124928 : i32
    %dma_start3A_10 = tpu.memref_slice %arg0[%dma_start3A_9] : memref<1000000xf32, #tpu.memory_space<hbm>> -> memref<124928xf32, #tpu.memory_space<hbm>>
    tpu.enqueue_dma source(%dma_start3A_10 : memref<124928xf32, #tpu.memory_space<hbm>>) target(%dma_start3A_8 : memref<124928xf32, #tpu.memory_space<vmem>>) target_semaphore(%arg5 : memref<!tpu.dma_semaphore, #tpu.memory_space<semaphore_mem>>)
    %dma_start3A_11 = arith.constant 2 : i32
    %dma_start3A_12 = arith.constant 0 : i32
    %dma_start3A_13 = tpu.memref_slice %arg3[%dma_start3A_11, %dma_start3A_12] : memref<8x124928xf32, #tpu.memory_space<vmem>> -> memref<1x124928xf32, #tpu.memory_space<vmem>>
    %dma_start3A_14 = tpu.memref_squeeze %dma_start3A_13 : memref<1x124928xf32, #tpu.memory_space<vmem>> -> memref<124928xf32, #tpu.memory_space<vmem>>
    %dma_start3A_15 = arith.constant 249856 : i32
    %dma_start3A_16 = tpu.memref_slice %arg0[%dma_start3A_15] : memref<1000000xf32, #tpu.memory_space<hbm>> -> memref<124928xf32, #tpu.memory_space<hbm>>
    tpu.enqueue_dma source(%dma_start3A_16 : memref<124928xf32, #tpu.memory_space<hbm>>) target(%dma_start3A_14 : memref<124928xf32, #tpu.memory_space<vmem>>) target_semaphore(%arg5 : memref<!tpu.dma_semaphore, #tpu.memory_space<semaphore_mem>>)
    %dma_start3A_17 = arith.constant 3 : i32
    %dma_start3A_18 = arith.constant 0 : i32
    %dma_start3A_19 = tpu.memref_slice %arg3[%dma_start3A_17, %dma_start3A_18] : memref<8x124928xf32, #tpu.memory_space<vmem>> -> memref<1x124928xf32, #tpu.memory_space<vmem>>
    %dma_start3A_20 = tpu.memref_squeeze %dma_start3A_19 : memref<1x124928xf32, #tpu.memory_space<vmem>> -> memref<124928xf32, #tpu.memory_space<vmem>>
    %dma_start3A_21 = arith.constant 374784 : i32
    %dma_start3A_22 = tpu.memref_slice %arg0[%dma_start3A_21] : memref<1000000xf32, #tpu.memory_space<hbm>> -> memref<124928xf32, #tpu.memory_space<hbm>>
    tpu.enqueue_dma source(%dma_start3A_22 : memref<124928xf32, #tpu.memory_space<hbm>>) target(%dma_start3A_20 : memref<124928xf32, #tpu.memory_space<vmem>>) target_semaphore(%arg5 : memref<!tpu.dma_semaphore, #tpu.memory_space<semaphore_mem>>)
    %dma_start3A_23 = arith.constant 4 : i32
    %dma_start3A_24 = arith.constant 0 : i32
    %dma_start3A_25 = tpu.memref_slice %arg3[%dma_start3A_23, %dma_start3A_24] : memref<8x124928xf32, #tpu.memory_space<vmem>> -> memref<1x124928xf32, #tpu.memory_space<vmem>>
    %dma_start3A_26 = tpu.memref_squeeze %dma_start3A_25 : memref<1x124928xf32, #tpu.memory_space<vmem>> -> memref<124928xf32, #tpu.memory_space<vmem>>
    %dma_start3A_27 = arith.constant 499712 : i32
    %dma_start3A_28 = tpu.memref_slice %arg0[%dma_start3A_27] : memref<1000000xf32, #tpu.memory_space<hbm>> -> memref<124928xf32, #tpu.memory_space<hbm>>
    tpu.enqueue_dma source(%dma_start3A_28 : memref<124928xf32, #tpu.memory_space<hbm>>) target(%dma_start3A_26 : memref<124928xf32, #tpu.memory_space<vmem>>) target_semaphore(%arg5 : memref<!tpu.dma_semaphore, #tpu.memory_space<semaphore_mem>>)
    %dma_start3A_29 = arith.constant 5 : i32
    %dma_start3A_30 = arith.constant 0 : i32
    %dma_start3A_31 = tpu.memref_slice %arg3[%dma_start3A_29, %dma_start3A_30] : memref<8x124928xf32, #tpu.memory_space<vmem>> -> memref<1x124928xf32, #tpu.memory_space<vmem>>
    %dma_start3A_32 = tpu.memref_squeeze %dma_start3A_31 : memref<1x124928xf32, #tpu.memory_space<vmem>> -> memref<124928xf32, #tpu.memory_space<vmem>>
    %dma_start3A_33 = arith.constant 624640 : i32
    %dma_start3A_34 = tpu.memref_slice %arg0[%dma_start3A_33] : memref<1000000xf32, #tpu.memory_space<hbm>> -> memref<124928xf32, #tpu.memory_space<hbm>>
    tpu.enqueue_dma source(%dma_start3A_34 : memref<124928xf32, #tpu.memory_space<hbm>>) target(%dma_start3A_32 : memref<124928xf32, #tpu.memory_space<vmem>>) target_semaphore(%arg5 : memref<!tpu.dma_semaphore, #tpu.memory_space<semaphore_mem>>)
    %dma_start3A_35 = arith.constant 6 : i32
    %dma_start3A_36 = arith.constant 0 : i32
    %dma_start3A_37 = tpu.memref_slice %arg3[%dma_start3A_35, %dma_start3A_36] : memref<8x124928xf32, #tpu.memory_space<vmem>> -> memref<1x124928xf32, #tpu.memory_space<vmem>>
    %dma_start3A_38 = tpu.memref_squeeze %dma_start3A_37 : memref<1x124928xf32, #tpu.memory_space<vmem>> -> memref<124928xf32, #tpu.memory_space<vmem>>
    %dma_start3A_39 = arith.constant 749568 : i32
    %dma_start3A_40 = tpu.memref_slice %arg0[%dma_start3A_39] : memref<1000000xf32, #tpu.memory_space<hbm>> -> memref<124928xf32, #tpu.memory_space<hbm>>
    tpu.enqueue_dma source(%dma_start3A_40 : memref<124928xf32, #tpu.memory_space<hbm>>) target(%dma_start3A_38 : memref<124928xf32, #tpu.memory_space<vmem>>) target_semaphore(%arg5 : memref<!tpu.dma_semaphore, #tpu.memory_space<semaphore_mem>>)
    %dma_start3A_41 = arith.constant 7 : i32
    %dma_start3A_42 = arith.constant 0 : i32
    %dma_start3A_43 = tpu.memref_slice %arg3[%dma_start3A_41, %dma_start3A_42] : memref<8x124928xf32, #tpu.memory_space<vmem>> -> memref<1x124928xf32, #tpu.memory_space<vmem>>
    %dma_start3A_44 = tpu.memref_squeeze %dma_start3A_43 : memref<1x124928xf32, #tpu.memory_space<vmem>> -> memref<124928xf32, #tpu.memory_space<vmem>>
    %dma_start3A_45 = arith.constant 874496 : i32
    %dma_start3A_46 = tpu.memref_slice %arg0[%dma_start3A_45] : memref<1000000xf32, #tpu.memory_space<hbm>> -> memref<124928xf32, #tpu.memory_space<hbm>>
    tpu.enqueue_dma source(%dma_start3A_46 : memref<124928xf32, #tpu.memory_space<hbm>>) target(%dma_start3A_44 : memref<124928xf32, #tpu.memory_space<vmem>>) target_semaphore(%arg5 : memref<!tpu.dma_semaphore, #tpu.memory_space<semaphore_mem>>)
    %dma_start3A_47 = arith.constant 0 : i32
    %dma_start3A_48 = arith.constant 0 : i32
    %dma_start3A_49 = tpu.memref_slice %arg4[%dma_start3A_47, %dma_start3A_48] : memref<8x124928xf32, #tpu.memory_space<vmem>> -> memref<1x124928xf32, #tpu.memory_space<vmem>>
    %dma_start3A_50 = tpu.memref_squeeze %dma_start3A_49 : memref<1x124928xf32, #tpu.memory_space<vmem>> -> memref<124928xf32, #tpu.memory_space<vmem>>
    %dma_start3A_51 = arith.constant 0 : i32
    %dma_start3A_52 = tpu.memref_slice %arg1[%dma_start3A_51] : memref<1000000xf32, #tpu.memory_space<hbm>> -> memref<124928xf32, #tpu.memory_space<hbm>>
    tpu.enqueue_dma source(%dma_start3A_52 : memref<124928xf32, #tpu.memory_space<hbm>>) target(%dma_start3A_50 : memref<124928xf32, #tpu.memory_space<vmem>>) target_semaphore(%arg6 : memref<!tpu.dma_semaphore, #tpu.memory_space<semaphore_mem>>)
    %dma_start3A_53 = arith.constant 1 : i32
    %dma_start3A_54 = arith.constant 0 : i32
    %dma_start3A_55 = tpu.memref_slice %arg4[%dma_start3A_53, %dma_start3A_54] : memref<8x124928xf32, #tpu.memory_space<vmem>> -> memref<1x124928xf32, #tpu.memory_space<vmem>>
    %dma_start3A_56 = tpu.memref_squeeze %dma_start3A_55 : memref<1x124928xf32, #tpu.memory_space<vmem>> -> memref<124928xf32, #tpu.memory_space<vmem>>
    %dma_start3A_57 = arith.constant 124928 : i32
    %dma_start3A_58 = tpu.memref_slice %arg1[%dma_start3A_57] : memref<1000000xf32, #tpu.memory_space<hbm>> -> memref<124928xf32, #tpu.memory_space<hbm>>
    tpu.enqueue_dma source(%dma_start3A_58 : memref<124928xf32, #tpu.memory_space<hbm>>) target(%dma_start3A_56 : memref<124928xf32, #tpu.memory_space<vmem>>) target_semaphore(%arg6 : memref<!tpu.dma_semaphore, #tpu.memory_space<semaphore_mem>>)
    %dma_start3A_59 = arith.constant 2 : i32
    %dma_start3A_60 = arith.constant 0 : i32
    %dma_start3A_61 = tpu.memref_slice %arg4[%dma_start3A_59, %dma_start3A_60] : memref<8x124928xf32, #tpu.memory_space<vmem>> -> memref<1x124928xf32, #tpu.memory_space<vmem>>
    %dma_start3A_62 = tpu.memref_squeeze %dma_start3A_61 : memref<1x124928xf32, #tpu.memory_space<vmem>> -> memref<124928xf32, #tpu.memory_space<vmem>>
    %dma_start3A_63 = arith.constant 249856 : i32
    %dma_start3A_64 = tpu.memref_slice %arg1[%dma_start3A_63] : memref<1000000xf32, #tpu.memory_space<hbm>> -> memref<124928xf32, #tpu.memory_space<hbm>>
    tpu.enqueue_dma source(%dma_start3A_64 : memref<124928xf32, #tpu.memory_space<hbm>>) target(%dma_start3A_62 : memref<124928xf32, #tpu.memory_space<vmem>>) target_semaphore(%arg6 : memref<!tpu.dma_semaphore, #tpu.memory_space<semaphore_mem>>)
    %dma_start3A_65 = arith.constant 3 : i32
    %dma_start3A_66 = arith.constant 0 : i32
    %dma_start3A_67 = tpu.memref_slice %arg4[%dma_start3A_65, %dma_start3A_66] : memref<8x124928xf32, #tpu.memory_space<vmem>> -> memref<1x124928xf32, #tpu.memory_space<vmem>>
    %dma_start3A_68 = tpu.memref_squeeze %dma_start3A_67 : memref<1x124928xf32, #tpu.memory_space<vmem>> -> memref<124928xf32, #tpu.memory_space<vmem>>
    %dma_start3A_69 = arith.constant 374784 : i32
    %dma_start3A_70 = tpu.memref_slice %arg1[%dma_start3A_69] : memref<1000000xf32, #tpu.memory_space<hbm>> -> memref<124928xf32, #tpu.memory_space<hbm>>
    tpu.enqueue_dma source(%dma_start3A_70 : memref<124928xf32, #tpu.memory_space<hbm>>) target(%dma_start3A_68 : memref<124928xf32, #tpu.memory_space<vmem>>) target_semaphore(%arg6 : memref<!tpu.dma_semaphore, #tpu.memory_space<semaphore_mem>>)
    %dma_start3A_71 = arith.constant 4 : i32
    %dma_start3A_72 = arith.constant 0 : i32
    %dma_start3A_73 = tpu.memref_slice %arg4[%dma_start3A_71, %dma_start3A_72] : memref<8x124928xf32, #tpu.memory_space<vmem>> -> memref<1x124928xf32, #tpu.memory_space<vmem>>
    %dma_start3A_74 = tpu.memref_squeeze %dma_start3A_73 : memref<1x124928xf32, #tpu.memory_space<vmem>> -> memref<124928xf32, #tpu.memory_space<vmem>>
    %dma_start3A_75 = arith.constant 499712 : i32
    %dma_start3A_76 = tpu.memref_slice %arg1[%dma_start3A_75] : memref<1000000xf32, #tpu.memory_space<hbm>> -> memref<124928xf32, #tpu.memory_space<hbm>>
    tpu.enqueue_dma source(%dma_start3A_76 : memref<124928xf32, #tpu.memory_space<hbm>>) target(%dma_start3A_74 : memref<124928xf32, #tpu.memory_space<vmem>>) target_semaphore(%arg6 : memref<!tpu.dma_semaphore, #tpu.memory_space<semaphore_mem>>)
    %dma_start3A_77 = arith.constant 5 : i32
    %dma_start3A_78 = arith.constant 0 : i32
    %dma_start3A_79 = tpu.memref_slice %arg4[%dma_start3A_77, %dma_start3A_78] : memref<8x124928xf32, #tpu.memory_space<vmem>> -> memref<1x124928xf32, #tpu.memory_space<vmem>>
    %dma_start3A_80 = tpu.memref_squeeze %dma_start3A_79 : memref<1x124928xf32, #tpu.memory_space<vmem>> -> memref<124928xf32, #tpu.memory_space<vmem>>
    %dma_start3A_81 = arith.constant 624640 : i32
    %dma_start3A_82 = tpu.memref_slice %arg1[%dma_start3A_81] : memref<1000000xf32, #tpu.memory_space<hbm>> -> memref<124928xf32, #tpu.memory_space<hbm>>
    tpu.enqueue_dma source(%dma_start3A_82 : memref<124928xf32, #tpu.memory_space<hbm>>) target(%dma_start3A_80 : memref<124928xf32, #tpu.memory_space<vmem>>) target_semaphore(%arg6 : memref<!tpu.dma_semaphore, #tpu.memory_space<semaphore_mem>>)
    %dma_start3A_83 = arith.constant 6 : i32
    %dma_start3A_84 = arith.constant 0 : i32
    %dma_start3A_85 = tpu.memref_slice %arg4[%dma_start3A_83, %dma_start3A_84] : memref<8x124928xf32, #tpu.memory_space<vmem>> -> memref<1x124928xf32, #tpu.memory_space<vmem>>
    %dma_start3A_86 = tpu.memref_squeeze %dma_start3A_85 : memref<1x124928xf32, #tpu.memory_space<vmem>> -> memref<124928xf32, #tpu.memory_space<vmem>>
    %dma_start3A_87 = arith.constant 749568 : i32
    %dma_start3A_88 = tpu.memref_slice %arg1[%dma_start3A_87] : memref<1000000xf32, #tpu.memory_space<hbm>> -> memref<124928xf32, #tpu.memory_space<hbm>>
    tpu.enqueue_dma source(%dma_start3A_88 : memref<124928xf32, #tpu.memory_space<hbm>>) target(%dma_start3A_86 : memref<124928xf32, #tpu.memory_space<vmem>>) target_semaphore(%arg6 : memref<!tpu.dma_semaphore, #tpu.memory_space<semaphore_mem>>)
    %dma_start3A_89 = arith.constant 7 : i32
    %dma_start3A_90 = arith.constant 0 : i32
    %dma_start3A_91 = tpu.memref_slice %arg4[%dma_start3A_89, %dma_start3A_90] : memref<8x124928xf32, #tpu.memory_space<vmem>> -> memref<1x124928xf32, #tpu.memory_space<vmem>>
    %dma_start3A_92 = tpu.memref_squeeze %dma_start3A_91 : memref<1x124928xf32, #tpu.memory_space<vmem>> -> memref<124928xf32, #tpu.memory_space<vmem>>
    %dma_start3A_93 = arith.constant 874496 : i32
    %dma_start3A_94 = tpu.memref_slice %arg1[%dma_start3A_93] : memref<1000000xf32, #tpu.memory_space<hbm>> -> memref<124928xf32, #tpu.memory_space<hbm>>
    tpu.enqueue_dma source(%dma_start3A_94 : memref<124928xf32, #tpu.memory_space<hbm>>) target(%dma_start3A_92 : memref<124928xf32, #tpu.memory_space<vmem>>) target_semaphore(%arg6 : memref<!tpu.dma_semaphore, #tpu.memory_space<semaphore_mem>>)
    %dma_wait3A = arith.constant 0 : i32
    %dma_wait3A_95 = arith.constant 0 : i32
    %dma_wait3A_96 = tpu.memref_slice %arg3[%dma_wait3A, %dma_wait3A_95] : memref<8x124928xf32, #tpu.memory_space<vmem>> -> memref<1x124928xf32, #tpu.memory_space<vmem>>
    %dma_wait3A_97 = tpu.memref_squeeze %dma_wait3A_96 : memref<1x124928xf32, #tpu.memory_space<vmem>> -> memref<124928xf32, #tpu.memory_space<vmem>>
    %dma_wait3A_98 = arith.constant 0 : i32
    %dma_wait3A_99 = tpu.memref_slice %arg0[%dma_wait3A_98] : memref<1000000xf32, #tpu.memory_space<hbm>> -> memref<124928xf32, #tpu.memory_space<hbm>>
    tpu.wait_dma2 semaphore(%arg5 : memref<!tpu.dma_semaphore, #tpu.memory_space<semaphore_mem>>) src(%dma_wait3A_99 : memref<124928xf32, #tpu.memory_space<hbm>>) dst(%dma_wait3A_97 : memref<124928xf32, #tpu.memory_space<vmem>>)
    %dma_wait3A_100 = arith.constant 1 : i32
    %dma_wait3A_101 = arith.constant 0 : i32
    %dma_wait3A_102 = tpu.memref_slice %arg3[%dma_wait3A_100, %dma_wait3A_101] : memref<8x124928xf32, #tpu.memory_space<vmem>> -> memref<1x124928xf32, #tpu.memory_space<vmem>>
    %dma_wait3A_103 = tpu.memref_squeeze %dma_wait3A_102 : memref<1x124928xf32, #tpu.memory_space<vmem>> -> memref<124928xf32, #tpu.memory_space<vmem>>
    %dma_wait3A_104 = arith.constant 124928 : i32
    %dma_wait3A_105 = tpu.memref_slice %arg0[%dma_wait3A_104] : memref<1000000xf32, #tpu.memory_space<hbm>> -> memref<124928xf32, #tpu.memory_space<hbm>>
    tpu.wait_dma2 semaphore(%arg5 : memref<!tpu.dma_semaphore, #tpu.memory_space<semaphore_mem>>) src(%dma_wait3A_105 : memref<124928xf32, #tpu.memory_space<hbm>>) dst(%dma_wait3A_103 : memref<124928xf32, #tpu.memory_space<vmem>>)
    %dma_wait3A_106 = arith.constant 2 : i32
    %dma_wait3A_107 = arith.constant 0 : i32
    %dma_wait3A_108 = tpu.memref_slice %arg3[%dma_wait3A_106, %dma_wait3A_107] : memref<8x124928xf32, #tpu.memory_space<vmem>> -> memref<1x124928xf32, #tpu.memory_space<vmem>>
    %dma_wait3A_109 = tpu.memref_squeeze %dma_wait3A_108 : memref<1x124928xf32, #tpu.memory_space<vmem>> -> memref<124928xf32, #tpu.memory_space<vmem>>
    %dma_wait3A_110 = arith.constant 249856 : i32
    %dma_wait3A_111 = tpu.memref_slice %arg0[%dma_wait3A_110] : memref<1000000xf32, #tpu.memory_space<hbm>> -> memref<124928xf32, #tpu.memory_space<hbm>>
    tpu.wait_dma2 semaphore(%arg5 : memref<!tpu.dma_semaphore, #tpu.memory_space<semaphore_mem>>) src(%dma_wait3A_111 : memref<124928xf32, #tpu.memory_space<hbm>>) dst(%dma_wait3A_109 : memref<124928xf32, #tpu.memory_space<vmem>>)
    %dma_wait3A_112 = arith.constant 3 : i32
    %dma_wait3A_113 = arith.constant 0 : i32
    %dma_wait3A_114 = tpu.memref_slice %arg3[%dma_wait3A_112, %dma_wait3A_113] : memref<8x124928xf32, #tpu.memory_space<vmem>> -> memref<1x124928xf32, #tpu.memory_space<vmem>>
    %dma_wait3A_115 = tpu.memref_squeeze %dma_wait3A_114 : memref<1x124928xf32, #tpu.memory_space<vmem>> -> memref<124928xf32, #tpu.memory_space<vmem>>
    %dma_wait3A_116 = arith.constant 374784 : i32
    %dma_wait3A_117 = tpu.memref_slice %arg0[%dma_wait3A_116] : memref<1000000xf32, #tpu.memory_space<hbm>> -> memref<124928xf32, #tpu.memory_space<hbm>>
    tpu.wait_dma2 semaphore(%arg5 : memref<!tpu.dma_semaphore, #tpu.memory_space<semaphore_mem>>) src(%dma_wait3A_117 : memref<124928xf32, #tpu.memory_space<hbm>>) dst(%dma_wait3A_115 : memref<124928xf32, #tpu.memory_space<vmem>>)
    %dma_wait3A_118 = arith.constant 4 : i32
    %dma_wait3A_119 = arith.constant 0 : i32
    %dma_wait3A_120 = tpu.memref_slice %arg3[%dma_wait3A_118, %dma_wait3A_119] : memref<8x124928xf32, #tpu.memory_space<vmem>> -> memref<1x124928xf32, #tpu.memory_space<vmem>>
    %dma_wait3A_121 = tpu.memref_squeeze %dma_wait3A_120 : memref<1x124928xf32, #tpu.memory_space<vmem>> -> memref<124928xf32, #tpu.memory_space<vmem>>
    %dma_wait3A_122 = arith.constant 499712 : i32
    %dma_wait3A_123 = tpu.memref_slice %arg0[%dma_wait3A_122] : memref<1000000xf32, #tpu.memory_space<hbm>> -> memref<124928xf32, #tpu.memory_space<hbm>>
    tpu.wait_dma2 semaphore(%arg5 : memref<!tpu.dma_semaphore, #tpu.memory_space<semaphore_mem>>) src(%dma_wait3A_123 : memref<124928xf32, #tpu.memory_space<hbm>>) dst(%dma_wait3A_121 : memref<124928xf32, #tpu.memory_space<vmem>>)
    %dma_wait3A_124 = arith.constant 5 : i32
    %dma_wait3A_125 = arith.constant 0 : i32
    %dma_wait3A_126 = tpu.memref_slice %arg3[%dma_wait3A_124, %dma_wait3A_125] : memref<8x124928xf32, #tpu.memory_space<vmem>> -> memref<1x124928xf32, #tpu.memory_space<vmem>>
    %dma_wait3A_127 = tpu.memref_squeeze %dma_wait3A_126 : memref<1x124928xf32, #tpu.memory_space<vmem>> -> memref<124928xf32, #tpu.memory_space<vmem>>
    %dma_wait3A_128 = arith.constant 624640 : i32
    %dma_wait3A_129 = tpu.memref_slice %arg0[%dma_wait3A_128] : memref<1000000xf32, #tpu.memory_space<hbm>> -> memref<124928xf32, #tpu.memory_space<hbm>>
    tpu.wait_dma2 semaphore(%arg5 : memref<!tpu.dma_semaphore, #tpu.memory_space<semaphore_mem>>) src(%dma_wait3A_129 : memref<124928xf32, #tpu.memory_space<hbm>>) dst(%dma_wait3A_127 : memref<124928xf32, #tpu.memory_space<vmem>>)
    %dma_wait3A_130 = arith.constant 6 : i32
    %dma_wait3A_131 = arith.constant 0 : i32
    %dma_wait3A_132 = tpu.memref_slice %arg3[%dma_wait3A_130, %dma_wait3A_131] : memref<8x124928xf32, #tpu.memory_space<vmem>> -> memref<1x124928xf32, #tpu.memory_space<vmem>>
    %dma_wait3A_133 = tpu.memref_squeeze %dma_wait3A_132 : memref<1x124928xf32, #tpu.memory_space<vmem>> -> memref<124928xf32, #tpu.memory_space<vmem>>
    %dma_wait3A_134 = arith.constant 749568 : i32
    %dma_wait3A_135 = tpu.memref_slice %arg0[%dma_wait3A_134] : memref<1000000xf32, #tpu.memory_space<hbm>> -> memref<124928xf32, #tpu.memory_space<hbm>>
    tpu.wait_dma2 semaphore(%arg5 : memref<!tpu.dma_semaphore, #tpu.memory_space<semaphore_mem>>) src(%dma_wait3A_135 : memref<124928xf32, #tpu.memory_space<hbm>>) dst(%dma_wait3A_133 : memref<124928xf32, #tpu.memory_space<vmem>>)
    %dma_wait3A_136 = arith.constant 7 : i32
    %dma_wait3A_137 = arith.constant 0 : i32
    %dma_wait3A_138 = tpu.memref_slice %arg3[%dma_wait3A_136, %dma_wait3A_137] : memref<8x124928xf32, #tpu.memory_space<vmem>> -> memref<1x124928xf32, #tpu.memory_space<vmem>>
    %dma_wait3A_139 = tpu.memref_squeeze %dma_wait3A_138 : memref<1x124928xf32, #tpu.memory_space<vmem>> -> memref<124928xf32, #tpu.memory_space<vmem>>
    %dma_wait3A_140 = arith.constant 874496 : i32
    %dma_wait3A_141 = tpu.memref_slice %arg0[%dma_wait3A_140] : memref<1000000xf32, #tpu.memory_space<hbm>> -> memref<124928xf32, #tpu.memory_space<hbm>>
    tpu.wait_dma2 semaphore(%arg5 : memref<!tpu.dma_semaphore, #tpu.memory_space<semaphore_mem>>) src(%dma_wait3A_141 : memref<124928xf32, #tpu.memory_space<hbm>>) dst(%dma_wait3A_139 : memref<124928xf32, #tpu.memory_space<vmem>>)
    %get3A = arith.constant 0 : index
    %get3A_142 = arith.constant 0 : index
    %get3A_143 = vector.load %arg3[%get3A, %get3A_142] : memref<8x124928xf32, #tpu.memory_space<vmem>>, vector<8x124928xf32>
    %mul3A = arith.mulf %get3A_143, %get3A_143 : vector<8x124928xf32>
    %reduce_sum3A = vector.shape_cast %mul3A : vector<8x124928xf32> to vector<1x8x124928xf32>
    %reduce_sum3A_144 = arith.constant dense<0.000000e+00> : vector<1xf32>
    %reduce_sum3A_145 = vector.multi_reduction <add>, %reduce_sum3A, %reduce_sum3A_144 [1, 2] : vector<1x8x124928xf32> to vector<1xf32>
    %reduce_sum3A_146 = vector.shape_cast %reduce_sum3A_145 : vector<1xf32> to vector<1x1x1xf32>
    %reduce_sum3A_147 = vector.extract %reduce_sum3A_146[0, 0, 0] : f32 from vector<1x1x1xf32>
    %dma_wait3A_148 = arith.constant 0 : i32
    %dma_wait3A_149 = arith.constant 0 : i32
    %dma_wait3A_150 = tpu.memref_slice %arg4[%dma_wait3A_148, %dma_wait3A_149] : memref<8x124928xf32, #tpu.memory_space<vmem>> -> memref<1x124928xf32, #tpu.memory_space<vmem>>
    %dma_wait3A_151 = tpu.memref_squeeze %dma_wait3A_150 : memref<1x124928xf32, #tpu.memory_space<vmem>> -> memref<124928xf32, #tpu.memory_space<vmem>>
    %dma_wait3A_152 = arith.constant 0 : i32
    %dma_wait3A_153 = tpu.memref_slice %arg1[%dma_wait3A_152] : memref<1000000xf32, #tpu.memory_space<hbm>> -> memref<124928xf32, #tpu.memory_space<hbm>>
    tpu.wait_dma2 semaphore(%arg6 : memref<!tpu.dma_semaphore, #tpu.memory_space<semaphore_mem>>) src(%dma_wait3A_153 : memref<124928xf32, #tpu.memory_space<hbm>>) dst(%dma_wait3A_151 : memref<124928xf32, #tpu.memory_space<vmem>>)
    %dma_wait3A_154 = arith.constant 1 : i32
    %dma_wait3A_155 = arith.constant 0 : i32
    %dma_wait3A_156 = tpu.memref_slice %arg4[%dma_wait3A_154, %dma_wait3A_155] : memref<8x124928xf32, #tpu.memory_space<vmem>> -> memref<1x124928xf32, #tpu.memory_space<vmem>>
    %dma_wait3A_157 = tpu.memref_squeeze %dma_wait3A_156 : memref<1x124928xf32, #tpu.memory_space<vmem>> -> memref<124928xf32, #tpu.memory_space<vmem>>
    %dma_wait3A_158 = arith.constant 124928 : i32
    %dma_wait3A_159 = tpu.memref_slice %arg1[%dma_wait3A_158] : memref<1000000xf32, #tpu.memory_space<hbm>> -> memref<124928xf32, #tpu.memory_space<hbm>>
    tpu.wait_dma2 semaphore(%arg6 : memref<!tpu.dma_semaphore, #tpu.memory_space<semaphore_mem>>) src(%dma_wait3A_159 : memref<124928xf32, #tpu.memory_space<hbm>>) dst(%dma_wait3A_157 : memref<124928xf32, #tpu.memory_space<vmem>>)
    %dma_wait3A_160 = arith.constant 2 : i32
    %dma_wait3A_161 = arith.constant 0 : i32
    %dma_wait3A_162 = tpu.memref_slice %arg4[%dma_wait3A_160, %dma_wait3A_161] : memref<8x124928xf32, #tpu.memory_space<vmem>> -> memref<1x124928xf32, #tpu.memory_space<vmem>>
    %dma_wait3A_163 = tpu.memref_squeeze %dma_wait3A_162 : memref<1x124928xf32, #tpu.memory_space<vmem>> -> memref<124928xf32, #tpu.memory_space<vmem>>
    %dma_wait3A_164 = arith.constant 249856 : i32
    %dma_wait3A_165 = tpu.memref_slice %arg1[%dma_wait3A_164] : memref<1000000xf32, #tpu.memory_space<hbm>> -> memref<124928xf32, #tpu.memory_space<hbm>>
    tpu.wait_dma2 semaphore(%arg6 : memref<!tpu.dma_semaphore, #tpu.memory_space<semaphore_mem>>) src(%dma_wait3A_165 : memref<124928xf32, #tpu.memory_space<hbm>>) dst(%dma_wait3A_163 : memref<124928xf32, #tpu.memory_space<vmem>>)
    %dma_wait3A_166 = arith.constant 3 : i32
    %dma_wait3A_167 = arith.constant 0 : i32
    %dma_wait3A_168 = tpu.memref_slice %arg4[%dma_wait3A_166, %dma_wait3A_167] : memref<8x124928xf32, #tpu.memory_space<vmem>> -> memref<1x124928xf32, #tpu.memory_space<vmem>>
    %dma_wait3A_169 = tpu.memref_squeeze %dma_wait3A_168 : memref<1x124928xf32, #tpu.memory_space<vmem>> -> memref<124928xf32, #tpu.memory_space<vmem>>
    %dma_wait3A_170 = arith.constant 374784 : i32
    %dma_wait3A_171 = tpu.memref_slice %arg1[%dma_wait3A_170] : memref<1000000xf32, #tpu.memory_space<hbm>> -> memref<124928xf32, #tpu.memory_space<hbm>>
    tpu.wait_dma2 semaphore(%arg6 : memref<!tpu.dma_semaphore, #tpu.memory_space<semaphore_mem>>) src(%dma_wait3A_171 : memref<124928xf32, #tpu.memory_space<hbm>>) dst(%dma_wait3A_169 : memref<124928xf32, #tpu.memory_space<vmem>>)
    %dma_wait3A_172 = arith.constant 4 : i32
    %dma_wait3A_173 = arith.constant 0 : i32
    %dma_wait3A_174 = tpu.memref_slice %arg4[%dma_wait3A_172, %dma_wait3A_173] : memref<8x124928xf32, #tpu.memory_space<vmem>> -> memref<1x124928xf32, #tpu.memory_space<vmem>>
    %dma_wait3A_175 = tpu.memref_squeeze %dma_wait3A_174 : memref<1x124928xf32, #tpu.memory_space<vmem>> -> memref<124928xf32, #tpu.memory_space<vmem>>
    %dma_wait3A_176 = arith.constant 499712 : i32
    %dma_wait3A_177 = tpu.memref_slice %arg1[%dma_wait3A_176] : memref<1000000xf32, #tpu.memory_space<hbm>> -> memref<124928xf32, #tpu.memory_space<hbm>>
    tpu.wait_dma2 semaphore(%arg6 : memref<!tpu.dma_semaphore, #tpu.memory_space<semaphore_mem>>) src(%dma_wait3A_177 : memref<124928xf32, #tpu.memory_space<hbm>>) dst(%dma_wait3A_175 : memref<124928xf32, #tpu.memory_space<vmem>>)
    %dma_wait3A_178 = arith.constant 5 : i32
    %dma_wait3A_179 = arith.constant 0 : i32
    %dma_wait3A_180 = tpu.memref_slice %arg4[%dma_wait3A_178, %dma_wait3A_179] : memref<8x124928xf32, #tpu.memory_space<vmem>> -> memref<1x124928xf32, #tpu.memory_space<vmem>>
    %dma_wait3A_181 = tpu.memref_squeeze %dma_wait3A_180 : memref<1x124928xf32, #tpu.memory_space<vmem>> -> memref<124928xf32, #tpu.memory_space<vmem>>
    %dma_wait3A_182 = arith.constant 624640 : i32
    %dma_wait3A_183 = tpu.memref_slice %arg1[%dma_wait3A_182] : memref<1000000xf32, #tpu.memory_space<hbm>> -> memref<124928xf32, #tpu.memory_space<hbm>>
    tpu.wait_dma2 semaphore(%arg6 : memref<!tpu.dma_semaphore, #tpu.memory_space<semaphore_mem>>) src(%dma_wait3A_183 : memref<124928xf32, #tpu.memory_space<hbm>>) dst(%dma_wait3A_181 : memref<124928xf32, #tpu.memory_space<vmem>>)
    %dma_wait3A_184 = arith.constant 6 : i32
    %dma_wait3A_185 = arith.constant 0 : i32
    %dma_wait3A_186 = tpu.memref_slice %arg4[%dma_wait3A_184, %dma_wait3A_185] : memref<8x124928xf32, #tpu.memory_space<vmem>> -> memref<1x124928xf32, #tpu.memory_space<vmem>>
    %dma_wait3A_187 = tpu.memref_squeeze %dma_wait3A_186 : memref<1x124928xf32, #tpu.memory_space<vmem>> -> memref<124928xf32, #tpu.memory_space<vmem>>
    %dma_wait3A_188 = arith.constant 749568 : i32
    %dma_wait3A_189 = tpu.memref_slice %arg1[%dma_wait3A_188] : memref<1000000xf32, #tpu.memory_space<hbm>> -> memref<124928xf32, #tpu.memory_space<hbm>>
    tpu.wait_dma2 semaphore(%arg6 : memref<!tpu.dma_semaphore, #tpu.memory_space<semaphore_mem>>) src(%dma_wait3A_189 : memref<124928xf32, #tpu.memory_space<hbm>>) dst(%dma_wait3A_187 : memref<124928xf32, #tpu.memory_space<vmem>>)
    %dma_wait3A_190 = arith.constant 7 : i32
    %dma_wait3A_191 = arith.constant 0 : i32
    %dma_wait3A_192 = tpu.memref_slice %arg4[%dma_wait3A_190, %dma_wait3A_191] : memref<8x124928xf32, #tpu.memory_space<vmem>> -> memref<1x124928xf32, #tpu.memory_space<vmem>>
    %dma_wait3A_193 = tpu.memref_squeeze %dma_wait3A_192 : memref<1x124928xf32, #tpu.memory_space<vmem>> -> memref<124928xf32, #tpu.memory_space<vmem>>
    %dma_wait3A_194 = arith.constant 874496 : i32
    %dma_wait3A_195 = tpu.memref_slice %arg1[%dma_wait3A_194] : memref<1000000xf32, #tpu.memory_space<hbm>> -> memref<124928xf32, #tpu.memory_space<hbm>>
    tpu.wait_dma2 semaphore(%arg6 : memref<!tpu.dma_semaphore, #tpu.memory_space<semaphore_mem>>) src(%dma_wait3A_195 : memref<124928xf32, #tpu.memory_space<hbm>>) dst(%dma_wait3A_193 : memref<124928xf32, #tpu.memory_space<vmem>>)
    %get3A_196 = arith.constant 0 : index
    %get3A_197 = arith.constant 0 : index
    %get3A_198 = vector.load %arg4[%get3A_196, %get3A_197] : memref<8x124928xf32, #tpu.memory_space<vmem>>, vector<8x124928xf32>
    %mul3A_199 = arith.mulf %get3A_198, %get3A_198 : vector<8x124928xf32>
    %reduce_sum3A_200 = vector.shape_cast %mul3A_199 : vector<8x124928xf32> to vector<1x8x124928xf32>
    %reduce_sum3A_201 = arith.constant dense<0.000000e+00> : vector<1xf32>
    %reduce_sum3A_202 = vector.multi_reduction <add>, %reduce_sum3A_200, %reduce_sum3A_201 [1, 2] : vector<1x8x124928xf32> to vector<1xf32>
    %reduce_sum3A_203 = vector.shape_cast %reduce_sum3A_202 : vector<1xf32> to vector<1x1x1xf32>
    %reduce_sum3A_204 = vector.extract %reduce_sum3A_203[0, 0, 0] : f32 from vector<1x1x1xf32>
    %broadcast_in_dim3A = vector.broadcast %reduce_sum3A_147 : f32 to vector<1x1xf32>
    %broadcast_in_dim3A_205 = vector.broadcast %reduce_sum3A_204 : f32 to vector<1x1xf32>
    %concatenate3A = tpu.concatenate %broadcast_in_dim3A, %broadcast_in_dim3A_205 in 1 : vector<1x1xf32>, vector<1x1xf32> -> vector<1x2xf32>
    %swap3A = arith.constant 0 : index
    %swap3A_206 = arith.constant 0 : index
    %swap3A_207 = vector.load %arg2[%swap3A, %swap3A_206] : memref<1x2xf32, #tpu.memory_space<vmem>>, vector<1x2xf32>
    tpu.vector_store %arg2[%swap3A, %swap3A_206], %concatenate3A {strides = array<i32>} : memref<1x2xf32, #tpu.memory_space<vmem>>, vector<1x2xf32>,
    return
  }
}

</mosaic_0001>

<sc_bundles>
// kernel: kernel.5.cloned.1.call-start
scs
__scs_entry_jumppad:
0x0: {  	(pc) =	sbr.rel $0x88, $3  }
0x1: {  	(tag) =	ssettag $0x0;
	lr =	simm.s32 $0x1  }
0x2: {  	[smem:$0x3F9E] =	sst lr;
	_ =	strace $0xD0000000  }
0x3: {  	_ = 	snop  }
0x4: {  	_ = 	snop  }
0x5: {  	_ = 	snop  }
0x6: {  	_ = 	snop  }
0x7: {  	_ = 	snop  }
__scs_overlays_trampoline_lowered:
0x8: {  	[smem:$0x3FAD] =	sst s0  }
0x9: {  	[smem:$0x3FAE] =	sst s1  }
0xa: {  	[smem:$0x3FAF] =	sst s2  }
0xb: {  	[smem:$0x3FB0] =	sst s3  }
0xc: {  	[smem:$0x3FB1] =	sst s4  }
0xd: {  	[smem:$0x3FB2] =	sst s5  }
0xe: {  	[smem:$0x3FB3] =	sst s6  }
0xf: {  	[smem:$0x3FB4] =	sst s7  }
0x10: {  	[smem:$0x3FB5] =	sst s8  }
0x11: {  	[smem:$0x3FB6] =	sst s9;
	s0 =	simm.s32 @!p0 $0x0  }
0x12: {  	s1 =	sld [smem:$0x3F9C];
	s0 =	simm.s32 @p0 $0x1  }
0x13: {  	[smem:$0x3FB7] =	sst s0;
	s0 =	simm.s32 @!p1 $0x0  }
0x14: {  	s2 =	sld [smem:$0x3F9B];
	s0 =	simm.s32 @p1 $0x1  }
0x15: {  	[smem:$0x3FB8] =	sst s0;
	s0 =	simm.s32 @!p2 $0x0  }
0x16: {  	s3 =	sld [smem:$0x3FDB];
	s0 =	simm.s32 @p2 $0x1  }
0x17: {  	s4 =	simm.s32 $0x1BF5;
	[smem:$0x3FBA] =	sst s0  }
0x18: {  	s0 =	sld [smem:$0x3F9D];
	_ =	swait.ge [sflag:s4], $0x0  }
0x19: {  	s7 =	sld [smem:$0x3F9E]  }
0x1a: {  	s8 =	sadd.s32 $0xFFFFE003, lr  }
0x1b: {  	s9 =	sadd.s32 $0xFFFFFEF7, lr;
	s5 =	simm.s32 $0xFFFFFFFF;
	p2 =	slt.u32 s8, $0xFFFFF086  }
0x1c: {  	p1 =	slt.u32 s9, $0xF7A;
	s5 =	simm.s32 @!p2 $0x0  }
0x1d: {  	s5 =	simm.s32 @p1 $0x1;
	p0 =	seq.s32 s7, s2  }
0x1e: {  	s7 =	smul.u32 @!p0 $0xF7A, s2;
	p2 =	seq.s32 @!p0 s5, $0x0  }
0x1f: {  	s9 =	smul.u32 $0xF7A, s1;
	s8 =	simm.s32 @!p0 $0x1BF5;
	p2 =	por !p2, p0  }
0x20: {  	[sflag:s8] =	ssyncset.s32 @!p0 $0xFFFFF086;
	s6 =	sadd.s32 @!p0 s3, s7;
	s7 =	simm.s32 @!p0 $0x108  }
0x21: {  	s3 =	sadd.s32 s3, s9;
	s6 =	sadd.s32 @!p0 $0x88, s6;
	s7 =	simm.s32 @p2 $0x1082  }
0x22: {  	[simem:s7], [sflag:s8] =	dma.local @!p0 [hbm:s6], $0xF7A  }
0x23: {  	s9 =	sor.u32 $0xD0000000, s2;
	s6 =	simm.s32 $0x108;
	_ =	swait.ge @!p0 [sflag:s8], $0x0  }
0x24: {  	s3 =	sadd.s32 $0x88, s3;
	s6 =	simm.s32 @!p1 $0x1082;
	[sflag:s4] =	ssyncset.s32 $0xFFFFF086  }
0x25: {  	[simem:s6], [sflag:s4] =	dma.local [hbm:s3], $0xF7A  }
0x26: {  	[smem:$0x3F9E] =	sst s1;
	(tag) =	ssettag s2;
	_ =	strace s9  }
0x27: {  	s1 =	sld [smem:$0x3FAE]  }
0x28: {  	s2 =	sld [smem:$0x3FAF]  }
0x29: {  	s4 =	sld [smem:$0x3FB1]  }
0x2a: {  	p0 =	seq.s32 s5, $0x0;
	s5 =	sld [smem:$0x3FB2]  }
0x2b: {  	s6 =	sld [smem:$0x3FB3]  }
0x2c: {  	s7 =	sld [smem:$0x3FB4]  }
0x2d: {  	s3 =	simm.s32 $0x108;
	s8 =	sld [smem:$0x3FB5]  }
0x2e: {  	s3 =	simm.s32 @!p0 $0x1082;
	s9 =	sld [smem:$0x3FB6]  }
0x2f: {  	lr =	sadd.s32 s0, s3;
	s0 =	sld [smem:$0x3FAD]  }
0x30: {  	s3 =	sld [smem:$0x3FB0]  }
0x31: {  	[smem:$0x3FB9] =	sst s10  }
0x32: {  	s10 =	sld [smem:$0x3FB7];
	_ =	sdelay $0x3  }
0x33: {  	p0 =	seq.s32 s10, $0x1;
	s10 =	sld [smem:$0x3FB9];
	_ =	sdelay $0x3  }
0x34: {  	[smem:$0x3FB9] =	sst s10  }
0x35: {  	s10 =	sld [smem:$0x3FB8];
	_ =	sdelay $0x3  }
0x36: {  	p1 =	seq.s32 s10, $0x1;
	s10 =	sld [smem:$0x3FB9];
	_ =	sdelay $0x3  }
0x37: {  	[smem:$0x3FB9] =	sst s10  }
0x38: {  	s10 =	sld [smem:$0x3FBA]  }
0x39: {  	_ = 	snop;
	(pc) =	sbr.ind lr, $3  }
0x3a: {  	_ = 	snop  }
0x3b: {  	_ = 	snop  }
0x3c: {  	p2 =	seq.s32 s10, $0x1;
	s10 =	sld [smem:$0x3FB9]  }
0x3d: {  	_ =	shalt  }
0x3e: {  	_ =	shalt  }
0x3f: {  	_ =	shalt  }
0x40: {  	_ =	shalt  }
0x41: {  	_ =	shalt  }
0x42: {  	_ =	shalt  }
0x43: {  	_ =	shalt  }
0x44: {  	_ =	shalt  }
0x45: {  	_ =	shalt  }
0x46: {  	_ =	shalt  }
0x47: {  	_ =	shalt  }
0x48: {  	_ =	shalt  }
0x49: {  	_ =	shalt  }
0x4a: {  	_ =	shalt  }
0x4b: {  	_ =	shalt  }
0x4c: {  	_ =	shalt  }
0x4d: {  	_ =	shalt  }
0x4e: {  	_ =	shalt  }
0x4f: {  	_ =	shalt  }
0x50: {  	_ =	shalt  }
0x51: {  	_ =	shalt  }
0x52: {  	_ =	shalt  }
0x53: {  	_ =	shalt  }
0x54: {  	_ =	shalt  }
0x55: {  	_ =	shalt  }
0x56: {  	_ =	shalt  }
0x57: {  	_ =	shalt  }
0x58: {  	_ =	shalt  }
0x59: {  	_ =	shalt  }
0x5a: {  	_ =	shalt  }
0x5b: {  	_ =	shalt  }
0x5c: {  	_ =	shalt  }
0x5d: {  	_ =	shalt  }
0x5e: {  	_ =	shalt  }
0x5f: {  	_ =	shalt  }
0x60: {  	_ =	shalt  }
0x61: {  	_ =	shalt  }
0x62: {  	_ =	shalt  }
0x63: {  	_ =	shalt  }
0x64: {  	_ =	shalt  }
0x65: {  	_ =	shalt  }
0x66: {  	_ =	shalt  }
0x67: {  	_ =	shalt  }
0x68: {  	_ =	shalt  }
0x69: {  	_ =	shalt  }
0x6a: {  	_ =	shalt  }
0x6b: {  	_ =	shalt  }
0x6c: {  	_ =	shalt  }
0x6d: {  	_ =	shalt  }
0x6e: {  	_ =	shalt  }
0x6f: {  	_ =	shalt  }
0x70: {  	_ =	shalt  }
0x71: {  	_ =	shalt  }
0x72: {  	_ =	shalt  }
0x73: {  	_ =	shalt  }
0x74: {  	_ =	shalt  }
0x75: {  	_ =	shalt  }
0x76: {  	_ =	shalt  }
0x77: {  	_ =	shalt  }
0x78: {  	_ =	shalt  }
0x79: {  	_ =	shalt  }
0x7a: {  	_ =	shalt  }
0x7b: {  	_ =	shalt  }
0x7c: {  	_ =	shalt  }
0x7d: {  	_ =	shalt  }
0x7e: {  	_ =	shalt  }
0x7f: {  	_ =	shalt  }
0x80: {  	_ =	shalt  }
0x81: {  	_ =	shalt  }
0x82: {  	_ =	shalt  }
0x83: {  	_ =	shalt  }
0x84: {  	_ =	shalt  }
0x85: {  	_ =	shalt  }
0x86: {  	_ =	shalt  }
0x87: {  	_ =	shalt  }
.Lfunc_end0:
.L_simem_size_0:
called_computation_lowered:
.L_overlay_start_0:
0x88: {  	s2 =	sld [smem:$0x3FD9]  }
0x89: {  	s3 =	sld [smem:$0x3FFE];
	_ =	sdelay $0x1  }
0x8a: {  	s1 =	srdreg.scid  }
0x8b: {  	s0 =	sand.u32 $0x1, s1  }
0x8c: {  	s17 =	sshll.u32 s0, $0xA;
	s2 =	sadd.s32 s3, s2  }
0x8d: {  	s2 =	sadd.s32 s2, s17  }
0x8e: {  	[smem:$0x3FC5] =	sst s2  }
0x8f: {  	_ = 	snop  }
0x90: {  	s2 =	sld [smem:$0x3FC9]  }
0x91: {  	s18 =	sld [smem:$0x3FC8]  }
0x92: {  	s4 =	sld [smem:$0x3FC7]  }
0x93: {  	s5 =	sld [smem:$0x3FD0];
	(tm) =	ssettm $0x1  }
0x94: {  	s6 =	sld [smem:$0x3FFB];
	_ =	sdelay $0x3  }
0x95: {  	_ =	strace s6  }
0x96: {  	s6 =	sld [smem:$0x3FFC];
	_ =	sdelay $0x3  }
0x97: {  	_ =	strace s6  }
0x98: {  	s6 =	sld [smem:$0x3FFD];
	_ =	sdelay $0x3  }
0x99: {  	_ =	strace s6  }
0x9a: {  	_ =	strace $0x8FFFFFFF  }
0x9b: {  	s19 =	sld [smem:$0x3FDB];
	_ =	sdelay $0x1  }
0x9c: {  	s7 =	simm.s32 $_scs_section_size  }
0x9d: {  	s8 =	simm.s32 $_size__tile_overlayer_lowered;
	s9 =	simm.s32 $_tile_overlayer_lowered  }
0x9e: {  	s22 =	simm.s32 $0x1BFF;
	s21 =	sshll.u32 s9, $0x1;
	s6 =	sadd.s32 s7, s19  }
0x9f: {  	s10 =	simm.s32 $0x0;
	s20 =	sshll.u32 s8, $0x1;
	s8 =	sadd.s32 s21, s6  }
0xa0: {  	[timem:s10], [sflag:s22] =	dma.local [hbm:s8], s20  }
0xa1: {  	_ =	swait.ge [sflag:s22], s20  }
0xa2: {  	s7 =	ssub.s32 $0x0, s20;
	[sflag:s22] =	ssyncset.done $0x0  }
0xa3: {  	[sflag:s22] =	ssyncadd.s32 s7;
	_ =	sdelay $0x1  }
0xa4: {  	s23 =	simm.s32 $0x1B8B  }
0xa5: {  	_ =	swait.ge [sflag:s23], $0x1  }
0xa6: {  	[sflag:s23] =	ssyncset.done $0x0  }
0xa7: {  	s25 =	simm.s32 $0x1B8E;
	s24 =	sld [smem:$0x3FFE];
	[sflag:s23] =	ssyncadd.s32 $0xFFFFFFFF  }
0xa8: {  	s26 =	simm.s32 $execute0_lowered;
	[smem:$0x3FD2] =	sst s25  }
0xa9: {  	s8 =	sshll.u32 s26, $0x1;
	_ =	strace $0x80000046;
	[dreg:$0x1] =	wrdreg $0xFFFFFFFF  }
0xaa: {  	s28 =	simm.s32 $_size_execute0_lowered;
	s6 =	sadd.s32 s6, s8;
	[dreg:$0x0] =	wrdreg $0x0  }
0xab: {  	s8 =	sshll.u32 s28, $0x1;
	[dreg:$0x2] =	wrdreg s6  }
0xac: {  	[dreg:$0x3] =	wrdreg s8  }
0xad: {  	[dreg:$0x4] =	wrdreg $0xC0  }
0xae: {  	_ =	task [dreg:s10], $0x5FFFF  }
0xaf: {  	[dreg:$0x1] =	wrdreg $0xFFFFFFFF  }
0xb0: {  	[dreg:$0x0] =	wrdreg $0x60  }
0xb1: {  	[dreg:$0x2] =	wrdreg s2  }
0xb2: {  	[dreg:$0x3] =	wrdreg s18  }
0xb3: {  	[dreg:$0x4] =	wrdreg s4  }
0xb4: {  	[dreg:$0x5] =	wrdreg s5  }
0xb5: {  	[dreg:$0x6] =	wrdreg s24  }
0xb6: {  	[dreg:$0x7] =	wrdreg $0x9  }
0xb7: {  	_ =	task.clear_ibuf [dreg:s10], $0x8FFFF;
	_ =	strace $0x90000046  }
0xb8: {  	s29 =	simm.s32 $0x9;
	_ =	strace $0x80000048  }
0xb9: {  	_ =	swait.ge [sflag:s29], $0x1  }
0xba: {  	[sflag:s29] =	ssyncadd.s32 $0xFFFFFFFF  }
0xbb: {  	_ =	strace $0x90000048  }
0xbc: {  	_ =	sfence  }
0xbd: {  	s30 =	sld [smem:$0x0];
	_ =	sdelay $0x2  }
0xbe: {  	s31 =	sshll.u32 s1, $0xD;
	s1 =	sshrl.u32 s1, $0x2  }
0xbf: {  	s3 =	sand.u32 $0x4000, s31;
	s1 =	sadd.s32 s1, s30  }
0xc0: {  	s0 =	sor.u32 s3, s0;
	s1 =	sshll.u32 s1, $0x11  }
0xc1: {  	s0 =	sor.u32 s1, s0  }
0xc2: {  	s0 =	sadd.s32 $0x8F2B, s0  }
0xc3: {  	[sflag:s0] =	ssyncadd.remote.s32 $0x1  }
0xc4: {  	_ =	sfence.sel $0xFFFF  }
0xc5: {  	[dreg:$0x0] =	wrdreg $0xFFFFFFFF;
	(pc) =	sbr.abs _section_cstart, $3  }
0xc6: {  	[dreg:$0x1] =	wrdreg $0xFFFFFFFF  }
0xc7: {  	_ =	task.clear_ibuf [dreg:s10], $0x2FFFF;
	_ =	strace $0x9FFFFFFF  }
0xc8: {  	(tm) =	ssettm $0x7FFFFFFF  }
0xc9: {  	_ =	shalt  }
tec
execute0_lowered:
.L_overlay_start_1:
0x0: {  	(tag) =	ssettag $0x1  }
0x1: {  	s0 =	rddreg [dreg:$0x0]  }
0x2: {  	s1 =	rddreg [dreg:$0x1]  }
0x3: {  	s2 =	rddreg [dreg:$0x2]  }
0x4: {  	s3 =	rddreg [dreg:$0x3]  }
0x5: {  	s5 =	rddreg [dreg:$0x4]  }
0x6: {  	s6 =	srdreg.scid;
	s7 =	stileid.u32  }
0x7: {  	s4 =	simm.s32 $0x0;
	s19 =	simm.s32 $0x80;
	s20 =	simm.s32 $0x400  }
0x8: {  	s28 =	simm.s32 $0x2;
	s16 =	simm.s32 $0x3;
	s29 =	simm.s32 $0x1  }
0x9: {  	s30 =	simm.s32 $0x2000;
	s31 =	simm.s32 $0x0;
	s6 =	sand.u32 $0x1, s6  }
0xa: {  	s7 =	sshll.u32 s7, $0x1;
	[smem:$0x7FF] =	sst s4;
	s8 =	sadd.s32 $0xE00, s5  }
0xb: {  	s15 =	sadd.s32 $0x1E800, s2;
	_ =	strace $0x80000047;
	[dreg:$0x6] =	wrdreg s8  }
0xc: {  	s5 =	sadd.s32 $0xE02, s5;
	s25 =	sadd.s32 $0x1E800, s1;
	[dreg:$0x7] =	wrdreg s15  }
0xd: {  	s14 =	sor.u32 s6, s7;
	s21 =	ssub.s32 $0x2, s6;
	[dreg:$0x8] =	wrdreg s5  }
0xe: {  	[dreg:$0x9] =	wrdreg s25;
	s25 =	simm.s32 $0xC00;
	s15 =	simm.s32 $0x1E00  }
0xf: {  	s22 =	sshll.u32 s14, $0x9;
	s23 =	sshrl.u32 s21, $0x1;
	s26 =	sshll.u32 s14, $0x6  }
0x10: {  	p0 =	seq.s32 s14, $0x1;
	p1 =	sne.s32 s14, $0x0;
	s6 =	sadd.s32 s0, s22  }
0x11: {  	s24 =	ssub.s32 s21, s23;
	s17 =	sadd.s32 s3, s26;
	s21 =	simm.s32 $0x200  }
0x12: {  	s22 =	simm.s32 $0x600;
	s23 =	simm.s32 $0x800;
	s26 =	simm.s32 $0xE00  }
0x13: {  	s7 =	sadd.s32 $0x10, s6;
	s8 =	sadd.s32 $0x20, s6;
	s9 =	sadd.s32 $0x30, s6  }
0x14: {  	s10 =	sadd.s32 $0x40, s6;
	s11 =	sadd.s32 $0x50, s6;
	s12 =	sadd.s32 $0x60, s6  }
0x15: {  	s13 =	sadd.s32 $0x70, s6;
	s18 =	smax.u32 s24, $0x1;
	s24 =	simm.s32 $0xA00  }
.LBB2_1:
0x16: {  	[tilespmem:s4], [sflag:$0x2] =	stream.strided.gather [hbm4b:s6+s19], $0x200, s20, s19, $0x38;
	[tilespmem:$0x2500] =	vst v63  }
0x17: {  	_ = 	snop  }
0x18: {  	[tilespmem:s21], [sflag:$0x2] =	stream.strided.gather [hbm4b:s7+s19], $0x200, s20, s19, $0x38;
	[tilespmem:$0x2500] =	vst v63  }
0x19: {  	_ = 	snop  }
0x1a: {  	[tilespmem:s20], [sflag:$0x2] =	stream.strided.gather [hbm4b:s8+s19], $0x200, s20, s19, $0x38;
	[tilespmem:$0x2500] =	vst v63  }
0x1b: {  	_ = 	snop  }
0x1c: {  	[tilespmem:s22], [sflag:$0x2] =	stream.strided.gather [hbm4b:s9+s19], $0x200, s20, s19, $0x38;
	[tilespmem:$0x2500] =	vst v63  }
0x1d: {  	_ = 	snop  }
0x1e: {  	[tilespmem:s23], [sflag:$0x2] =	stream.strided.gather [hbm4b:s10+s19], $0x200, s20, s19, $0x38;
	[tilespmem:$0x2500] =	vst v63  }
0x1f: {  	_ = 	snop  }
0x20: {  	[tilespmem:s24], [sflag:$0x2] =	stream.strided.gather [hbm4b:s11+s19], $0x200, s20, s19, $0x38;
	[tilespmem:$0x2500] =	vst v63  }
0x21: {  	_ = 	snop  }
0x22: {  	[tilespmem:s25], [sflag:$0x2] =	stream.strided.gather [hbm4b:s12+s19], $0x200, s20, s19, $0x38;
	[tilespmem:$0x2500] =	vst v63  }
0x23: {  	_ = 	snop  }
0x24: {  	[tilespmem:s26], [sflag:$0x2] =	stream.strided.gather [hbm4b:s13+s19], $0x200, s20, s19, $0x38;
	[tilespmem:$0x2500] =	vst v63  }
0x25: {  	_ =	swait.ge [sflag:s28], $0x200  }
0x26: {  	[sflag:s28] =	ssyncset.done $0x0  }
0x27: {  	s0 =	simm.s32 $0x1000;
	[sflag:s28] =	ssyncadd.s32 $0xFFFFFE00  }
0x28: {  	[tilespmem:s0], [sflag:$0x1] =	stream.indirect.gather [hbm4b:s1+s21], $0x1, s4, s21, $0xb8;
	[tilespmem:$0x2500] =	vst v63  }
0x29: {  	_ =	swait.ge [sflag:s28], $0x200  }
0x2a: {  	[sflag:s28] =	ssyncset.done $0x0  }
0x2b: {  	s3 =	simm.s32 $0x1200;
	[sflag:s28] =	ssyncadd.s32 $0xFFFFFE00  }
0x2c: {  	[tilespmem:s3], [sflag:$0x1] =	stream.indirect.gather [hbm4b:s1+s21], $0x1, s21, s21, $0xb8;
	[tilespmem:$0x2500] =	vst v63  }
0x2d: {  	_ =	swait.ge [sflag:s28], $0x200  }
0x2e: {  	[sflag:s28] =	ssyncset.done $0x0  }
0x2f: {  	s5 =	simm.s32 $0x1400;
	[sflag:s28] =	ssyncadd.s32 $0xFFFFFE00  }
0x30: {  	[tilespmem:s5], [sflag:$0x1] =	stream.indirect.gather [hbm4b:s1+s21], $0x1, s20, s21, $0xb8;
	[tilespmem:$0x2500] =	vst v63  }
0x31: {  	_ =	swait.ge [sflag:s28], $0x200  }
0x32: {  	[sflag:s28] =	ssyncset.done $0x0  }
0x33: {  	s14 =	simm.s32 $0x1600;
	[sflag:s28] =	ssyncadd.s32 $0xFFFFFE00  }
0x34: {  	[tilespmem:s14], [sflag:$0x1] =	stream.indirect.gather [hbm4b:s1+s21], $0x1, s22, s21, $0xb8;
	[tilespmem:$0x2500] =	vst v63  }
0x35: {  	_ =	swait.ge [sflag:s28], $0x200  }
0x36: {  	[sflag:s28] =	ssyncset.done $0x0  }
0x37: {  	s3 =	simm.s32 $0x1800;
	[sflag:s28] =	ssyncadd.s32 $0xFFFFFE00  }
0x38: {  	[tilespmem:s3], [sflag:$0x1] =	stream.indirect.gather [hbm4b:s2+s21], $0x1, s23, s21, $0xb8;
	[tilespmem:$0x2500] =	vst v63  }
0x39: {  	_ =	swait.ge [sflag:s28], $0x200  }
0x3a: {  	[sflag:s28] =	ssyncset.done $0x0  }
0x3b: {  	s5 =	simm.s32 $0x1A00;
	[sflag:s28] =	ssyncadd.s32 $0xFFFFFE00  }
0x3c: {  	[tilespmem:s5], [sflag:$0x1] =	stream.indirect.gather [hbm4b:s2+s21], $0x1, s24, s21, $0xb8;
	[tilespmem:$0x2500] =	vst v63  }
0x3d: {  	_ =	swait.ge [sflag:s28], $0x200  }
0x3e: {  	[sflag:s28] =	ssyncset.done $0x0  }
0x3f: {  	s14 =	simm.s32 $0x1C00;
	[sflag:s28] =	ssyncadd.s32 $0xFFFFFE00  }
0x40: {  	[tilespmem:s14], [sflag:$0x1] =	stream.indirect.gather [hbm4b:s2+s21], $0x1, s25, s21, $0xb8;
	[tilespmem:$0x2500] =	vst v63  }
.Ltmp0:
0x41: {  	_ = 	snop;
	(pc) =	sbr.rel @p0 .LBB2_6-.Ltmp0, $4  }
0x42: {  	_ =	swait.ge [sflag:s28], $0x200  }
0x43: {  	[sflag:s28] =	ssyncset.done $0x0  }
0x44: {  	[sflag:s28] =	ssyncadd.s32 $0xFFFFFE00  }
0x45: {  	[tilespmem:s15], [sflag:$0x1] =	stream.indirect.gather [hbm4b:s2+s21], $0x1, s26, s21, $0xb8;
	[tilespmem:$0x2500] =	vst v63  }
.Ltmp1:
0x46: {  	(pc) =	sbr.rel @p1 .LBB2_10-.Ltmp1, $1  }
0x47: {  	_ =	sdelay $0x3  }
0x48: {  	s0 =	simm.s32 $0x0;
	s3 =	rddreg [dreg:$0x9];
	s5 =	simm.s32 $0x2200  }
0x49: {  	[tilespmem:s5], [sflag:$0x3] =	stream.linear.gather [hbm4b:s3+s0], $0x240, $0x38;
	[tilespmem:$0x2500] =	vst v63  }
0x4a: {  	_ =	swait.ge [sflag:s16], $0x240  }
0x4b: {  	[sflag:s16] =	ssyncset.done $0x0  }
0x4c: {  	s14 =	simm.s32 $0x0;
	[sflag:s16] =	ssyncadd.s32 $0xFFFFFDC0  }
0x4d: {  	v1 =	vld [tilespmem:s14+$0x2200]  }
0x4e: {  	v0 =	vimm.f32 $0.0e+00;
	s0 =	simm.s32 $0x40  }
.LBB2_4:
0x4f: {  	p2 =	sne.s32 s0, $0x8C0  }
.Ltmp2:
0x50: {  	_ = 	snop;
	(pc) =	sbr.rel @p2 .LBB2_4-.Ltmp2, $4  }
0x51: {  	_ = 	snop  }
0x52: {  	s3 =	sshra.s32 s0, $0x2;
	s0 =	sadd.s32 $0x40, s0;
	v2 =	vmul.f32 v1, v1  }
0x53: {  	v1 =	vld [tilespmem:s3+$0x2200]  }
0x54: {  	v0 =	vadd.f32 v2, v0  }
0x55: {  	_ =	sdelay $0x2  }
0x56: {  	v1 =	vmul.f32 v1, v1  }
.Ltmp3:
0x57: {  	_ = 	snop;
	(pc) =	sbr.rel .LBB2_9-.Ltmp3, $3  }
0x58: {  	v0 =	vadd.f32 v1, v0;
	_ =	sdelay $0x1  }
0x59: {  	s0 =	rddreg [dreg:$0x6];
	s3 =	simm.s32 $0x2480;
	[tilespmem:$0x2480] =	vst v0  }
0x5a: {  	[hbm4b:s0+s4] =	stream.linear.scatter [tilespmem:s3], [sflag:$0x3], $0x10, $0x38;
	[tilespmem:$0x2500] =	vst v63  }
.LBB2_6:
0x5b: {  	s0 =	simm.s32 $0x0;
	s3 =	rddreg [dreg:$0x7];
	s5 =	simm.s32 $0x2200  }
0x5c: {  	[tilespmem:s5], [sflag:$0x3] =	stream.linear.gather [hbm4b:s3+s0], $0x240, $0x38;
	[tilespmem:$0x2500] =	vst v63  }
0x5d: {  	_ =	swait.ge [sflag:s16], $0x240  }
0x5e: {  	[sflag:s16] =	ssyncset.done $0x0  }
0x5f: {  	s14 =	simm.s32 $0x0;
	[sflag:s16] =	ssyncadd.s32 $0xFFFFFDC0  }
0x60: {  	v1 =	vld [tilespmem:s14+$0x2200]  }
0x61: {  	v0 =	vimm.f32 $0.0e+00;
	s0 =	simm.s32 $0x40  }
.LBB2_7:
0x62: {  	p2 =	sne.s32 s0, $0x8C0  }
.Ltmp4:
0x63: {  	_ = 	snop;
	(pc) =	sbr.rel @p2 .LBB2_7-.Ltmp4, $4  }
0x64: {  	_ = 	snop  }
0x65: {  	s3 =	sshra.s32 s0, $0x2;
	s0 =	sadd.s32 $0x40, s0;
	v2 =	vmul.f32 v1, v1  }
0x66: {  	v1 =	vld [tilespmem:s3+$0x2200]  }
0x67: {  	v0 =	vadd.f32 v2, v0  }
0x68: {  	_ =	sdelay $0x2  }
0x69: {  	v1 =	vmul.f32 v1, v1;
	_ =	sdelay $0x1  }
0x6a: {  	v0 =	vadd.f32 v1, v0;
	_ =	sdelay $0x1  }
0x6b: {  	s0 =	rddreg [dreg:$0x8];
	s3 =	simm.s32 $0x2480;
	[tilespmem:$0x2480] =	vst v0  }
0x6c: {  	[hbm4b:s0+s4] =	stream.linear.scatter [tilespmem:s3], [sflag:$0x3], $0x10, $0x38;
	[tilespmem:$0x2500] =	vst v63  }
.LBB2_9:
0x6d: {  	_ =	swait.ge [sflag:s16], $0x10  }
0x6e: {  	[sflag:s16] =	ssyncset.done $0x0  }
0x6f: {  	[sflag:s16] =	ssyncadd.s32 $0xFFFFFFF0  }
.LBB2_10:
0x70: {  	_ =	swait.ge [sflag:s29], $0x200  }
0x71: {  	[sflag:s29] =	ssyncset.done $0x0  }
0x72: {  	[sflag:s29] =	ssyncadd.s32 $0xFFFFFE00  }
0x73: {  	_ =	swait.ge [sflag:s29], $0x200  }
0x74: {  	[sflag:s29] =	ssyncset.done $0x0  }
0x75: {  	[sflag:s29] =	ssyncadd.s32 $0xFFFFFE00  }
0x76: {  	_ =	swait.ge [sflag:s29], $0x200  }
0x77: {  	[sflag:s29] =	ssyncset.done $0x0  }
0x78: {  	[sflag:s29] =	ssyncadd.s32 $0xFFFFFE00  }
0x79: {  	_ =	swait.ge [sflag:s29], $0x200  }
0x7a: {  	[sflag:s29] =	ssyncset.done $0x0  }
0x7b: {  	[sflag:s29] =	ssyncadd.s32 $0xFFFFFE00  }
0x7c: {  	_ =	swait.ge [sflag:s29], $0x200  }
0x7d: {  	[sflag:s29] =	ssyncset.done $0x0  }
0x7e: {  	[sflag:s29] =	ssyncadd.s32 $0xFFFFFE00  }
0x7f: {  	_ =	swait.ge [sflag:s29], $0x200  }
0x80: {  	[sflag:s29] =	ssyncset.done $0x0  }
0x81: {  	[sflag:s29] =	ssyncadd.s32 $0xFFFFFE00  }
0x82: {  	_ =	swait.ge [sflag:s29], $0x200  }
0x83: {  	[sflag:s29] =	ssyncset.done $0x0  }
0x84: {  	[sflag:s29] =	ssyncadd.s32 $0xFFFFFE00  }
0x85: {  	_ =	swait.ge [sflag:s29], $0x200  }
0x86: {  	[sflag:s29] =	ssyncset.done $0x0  }
0x87: {  	s3 =	simm.s32 $0x0;
	[sflag:s29] =	ssyncadd.s32 $0xFFFFFE00  }
0x88: {  	v0 =	vld [tilespmem:s3+$0x1000]  }
0x89: {  	v1 =	vld [tilespmem:s3+$0x1200];
	_ =	sdelay $0x1  }
0x8a: {  	v2 =	vld [tilespmem:s3+$0x1400];
	_ =	sdelay $0x1  }
0x8b: {  	v3 =	vld [tilespmem:s3+$0x1600]  }
0x8c: {  	v4 =	vld [tilespmem:s3+$0x1A00];
	v0 =	vmul.f32 v1, v0  }
0x8d: {  	s0 =	simm.s32 $0x10;
	v1 =	vld [tilespmem:s3+$0x1800]  }
0x8e: {  	v5 =	vld [tilespmem:s0+$0x1000];
	v0 =	vmul.f32 v2, v0  }
0x8f: {  	v6 =	vld [tilespmem:s0+$0x1200]  }
0x90: {  	v7 =	vld [tilespmem:s3+$0x1C00];
	v0 =	vmul.f32 v3, v0  }
0x91: {  	v8 =	vld [tilespmem:s0+$0x1400]  }
0x92: {  	v2 =	vld [tilespmem:s3+$0x1E00];
	v3 =	vmul.f32 v1, v0  }
0x93: {  	v1 =	vld [tilespmem:s0+$0x1600]  }
0x94: {  	v5 =	vmul.f32 v6, v5;
	v0 =	vld [tilespmem:s0+$0x1A00];
	v6 =	vmul.f32 v4, v3  }
0x95: {  	s5 =	simm.s32 $0x20;
	v3 =	vld [tilespmem:s0+$0x1800]  }
0x96: {  	s14 =	simm.s32 $0xC0;
	v5 =	vmul.f32 v8, v5;
	v4 =	vld [tilespmem:s5+$0x1000];
	v6 =	vmul.f32 v7, v6  }
.LBB2_11:
0x97: {  	p2 =	sne.s32 s14, $0x7C0;
	v7 =	vld [tilespmem:s5+$0x1200]  }
0x98: {  	v1 =	vmul.f32 v1, v5;
	v8 =	vld [tilespmem:s0+$0x1C00];
	v5 =	vmul.f32 v2, v6  }
0x99: {  	v6 =	vld [tilespmem:s5+$0x1400]  }
.Ltmp5:
0x9a: {  	v3 =	vmul.f32 v3, v1;
	v2 =	vld [tilespmem:s0+$0x1E00];
	[tilespmem:s3+$0x2000] =	vst v5;
	s3 =	smov.u32 s0;
	s0 =	smov.u32 s5;
	(pc) =	sbr.rel @p2 .LBB2_11-.Ltmp5, $4  }
0x9b: {  	v1 =	vld [tilespmem:s0+$0x1600]  }
0x9c: {  	v5 =	vmul.f32 v7, v4;
	v7 =	vmul.f32 v0, v3;
	v0 =	vld [tilespmem:s0+$0x1A00]  }
0x9d: {  	s5 =	sshra.s32 s14, $0x2;
	v3 =	vld [tilespmem:s0+$0x1800]  }
0x9e: {  	s14 =	sadd.s32 $0x40, s14;
	v4 =	vld [tilespmem:s5+$0x1000];
	v5 =	vmul.f32 v6, v5;
	v6 =	vmul.f32 v8, v7  }
0x9f: {  	v7 =	vld [tilespmem:s5+$0x1200]  }
0xa0: {  	v8 =	vld [tilespmem:s0+$0x1C00];
	v2 =	vmul.f32 v2, v6  }
0xa1: {  	v59 =	vld [tilespmem:s5+$0x1400]  }
0xa2: {  	v9 =	vld [tilespmem:s0+$0x1E00];
	[tilespmem:s3+$0x2000] =	vst v2  }
0xa3: {  	v2 =	vld [tilespmem:s5+$0x1600]  }
0xa4: {  	v4 =	vmul.f32 v7, v4  }
0xa5: {  	v60 =	vld [tilespmem:s5+$0x1800]  }
0xa6: {  	v4 =	vmul.f32 v59, v4  }
0xa7: {  	v1 =	vmul.f32 v1, v5;
	v61 =	vld [tilespmem:s5+$0x1A00]  }
0xa8: {  	v2 =	vmul.f32 v2, v4  }
0xa9: {  	v1 =	vmul.f32 v3, v1;
	v62 =	vld [tilespmem:s5+$0x1C00]  }
0xaa: {  	v2 =	vmul.f32 v60, v2  }
0xab: {  	v63 =	vld [tilespmem:s5+$0x1E00];
	v0 =	vmul.f32 v0, v1  }
0xac: {  	v2 =	vmul.f32 v61, v2  }
0xad: {  	v0 =	vmul.f32 v8, v0  }
0xae: {  	v2 =	vmul.f32 v62, v2  }
0xaf: {  	v0 =	vmul.f32 v9, v0  }
0xb0: {  	s31 =	sadd.s32 $0x1, s31;
	v1 =	vmul.f32 v63, v2  }
0xb1: {  	p2 =	sne.s32 s31, s18;
	[tilespmem:s0+$0x2000] =	vst v0  }
.Ltmp6:
0xb2: {  	[tilespmem:s5+$0x2000] =	vst v1;
	(pc) =	sbr.rel @p2 .LBB2_1-.Ltmp6, $4  }
0xb3: {  	[hbm4b:s17+s4] =	stream.linear.scatter [tilespmem:s30], [sflag:$0x3], $0x200, $0x38;
	[tilespmem:$0x2500] =	vst v63  }
0xb4: {  	_ =	swait.ge [sflag:s16], $0x200  }
0xb5: {  	[sflag:s16] =	ssyncset.done $0x0  }
0xb6: {  	[sflag:s16] =	ssyncadd.s32 $0xFFFFFE00  }
0xb7: {  	_ =	sfence.sel $0x180000  }
0xb8: {  	[bflag:$0x0] =	sbarrier.arrive $0xFFFF  }
0xb9: {  	_ =	strace $0x90000047  }
0xba: {  	s0 =	stileid.u32;
	[bflag:$0x2] =	sbarrier.arrive $0xFFFF  }
0xbb: {  	p0 =	sne.s32 s0, $0x0;
	s0 =	rddreg [dreg:$0x5]  }
0xbc: {  	s0 =	sadd.s32 @!p0 $0x100000, s0  }
0xbd: {  	[sflag:s0] =	ssyncadd.tile.s32 @!p0 $0x1;
	_ =	shalt  }
.Lfunc_end2:
_tile_overlayer_lowered:
.L_overlay_start_2:
0xbe: {  	(tag) =	ssettag $0x2  }
0xbf: {  	s0 =	rddreg [dreg:$0x0];
	s2 =	stileid.u32  }
0xc0: {  	s1 =	rddreg [dreg:$0x1];
	p0 =	sne.s32 s2, $0x0  }
0xc1: {  	s3 =	rddreg [dreg:$0x2];
	[bflag:$0x3] =	sbarrier.arrive $0xFFFF;
	s2 =	simm.s32 @!p0 $0x1C03  }
0xc2: {  	[timem:s3], [sflag:s2] =	dma.local @!p0 [hbm:s0], s1  }
0xc3: {  	s0 =	simm.s32 @!p0 $0x3  }
0xc4: {  	_ =	swait.ge @!p0 [sflag:s0], s1  }
0xc5: {  	s1 =	ssub.s32 @!p0 $0x0, s1;
	[sflag:s0] =	ssyncset.done @!p0 $0x0  }
0xc6: {  	[sflag:s0] =	ssyncadd.s32 @!p0 s1  }
0xc7: {  	[bflag:$0x3] =	sbarrier.arrive $0xFFFF  }
0xc8: {  	_ =	shalt  }

</sc_bundles>
